<compile_context>
chip_gen: v7x
topology: tpu7x:2x2x1
jax: 0.10.2.dev20260603
libtpu: 0.0.44.dev20260713+nightly
codegen_flags: <defaults>
</compile_context>

<pallas_src>
import functools

import jax
import jax.numpy as jnp
from jax import lax
from jax.experimental import pallas as pl
from jax.experimental.pallas import tpu as pltpu
from jax.experimental.pallas import tpu_sc as plsc

N = 10000
F_IN = 128
NHID = 64
NCLS = 40
NCLSP = 48
E = 320000

NC = 2
NS = 16
NW = NC * NS
CHUNK = 128
CPT = 2 * (-(-E // (2 * NW * CHUNK)))
E_PAD = CPT * NW * CHUNK
N_PAD = 10240
ROWS_PER_TILE = N_PAD // NS
R_TC = 2048

_MESH = dict(core_axis_name="c", subcore_axis_name="s", num_cores=NC,
             num_subcores=NS)


CPT2 = E_PAD // NS // CHUNK


@functools.cache
def _make_edge_agg(F):
    mesh = plsc.VectorSubcoreMesh(**_MESH)

    @functools.partial(
        pl.kernel,
        out_type=jax.ShapeDtypeStruct((NC, N_PAD, 128), jnp.float32),
        mesh=mesh,
        compiler_params=pltpu.CompilerParams(use_tc_tiling_on_sc=False),
        scratch_types=[
            pltpu.VMEM((CPT, CHUNK), jnp.int32),
            pltpu.VMEM((CPT, CHUNK), jnp.int32),
            [pltpu.VMEM((CHUNK, F), jnp.float32) for _ in range(2)],
            pltpu.VMEM_SHARED((N_PAD, F), jnp.float32),
            pltpu.VMEM_SHARED((N_PAD, F), jnp.float32),
            [pltpu.SemaphoreType.DMA for _ in range(2)],
        ],
    )
    def edge_agg(src_hbm, dst_hbm, table_hbm, zeros_hbm, out_hbm,
                 srcv, dstv, bufs, acc, tbl, gsem):
        cid = lax.axis_index("c")
        sid = lax.axis_index("s")
        w = cid * NS + sid
        sl = pl.ds(sid * ROWS_PER_TILE, ROWS_PER_TILE)
        pltpu.sync_copy(src_hbm.at[w // 2, pl.ds((w % 2) * CPT, CPT)], srcv)
        pltpu.sync_copy(dst_hbm.at[w // 2, pl.ds((w % 2) * CPT, CPT)], dstv)
        pltpu.sync_copy(zeros_hbm, acc.at[sl])
        pltpu.sync_copy(table_hbm.at[sl], tbl.at[sl])
        plsc.subcore_barrier()
        pltpu.async_copy(tbl.at[srcv.at[0]], bufs[0], gsem[0])

        @pl.loop(0, CPT // 2)
        def _(g):
            j0 = g * 2
            pltpu.make_async_copy(tbl.at[srcv.at[j0]], bufs[0],
                                  gsem[0]).wait()
            pltpu.async_copy(tbl.at[srcv.at[j0 + 1]], bufs[1], gsem[1])
            pltpu.sync_copy(bufs[0], acc.at[dstv.at[j0]], add=True)
            pltpu.make_async_copy(tbl.at[srcv.at[j0 + 1]], bufs[1],
                                  gsem[1]).wait()

            @pl.when(j0 + 2 < CPT)
            def _():
                pltpu.async_copy(tbl.at[srcv.at[j0 + 2]], bufs[0], gsem[0])

            pltpu.sync_copy(bufs[1], acc.at[dstv.at[j0 + 1]], add=True)

        plsc.subcore_barrier()
        pltpu.sync_copy(acc.at[sl], out_hbm.at[cid, sl, pl.ds(0, F)])

    return edge_agg


@functools.cache
def _make_deg():
    mesh = plsc.VectorSubcoreMesh(**_MESH)

    @functools.partial(
        pl.kernel,
        out_type=jax.ShapeDtypeStruct((NC, N_PAD, 128), jnp.float32),
        mesh=mesh,
        compiler_params=pltpu.CompilerParams(use_tc_tiling_on_sc=False),
        scratch_types=[
            pltpu.VMEM((CPT, CHUNK), jnp.int32),
            pltpu.VMEM((CHUNK, 16), jnp.float32),
            pltpu.VMEM_SHARED((N_PAD, 16), jnp.float32),
            pltpu.SemaphoreType.DMA,
            pltpu.SemaphoreType.DMA,
        ],
    )
    def deg(dst_hbm, zeros_hbm, out_hbm, dstv, buf, acc, isem, ssem):
        cid = lax.axis_index("c")
        sid = lax.axis_index("s")
        w = cid * NS + sid
        sl = pl.ds(sid * ROWS_PER_TILE, ROWS_PER_TILE)
        c1 = pltpu.async_copy(
            dst_hbm.at[w // 2, pl.ds((w % 2) * CPT, CPT)], dstv, isem)
        c2 = pltpu.async_copy(zeros_hbm, acc.at[sl], ssem)
        one = jnp.ones((16,), jnp.float32)

        @pl.loop(0, CHUNK)
        def _(r):
            buf[r] = one

        c1.wait()
        c2.wait()
        plsc.subcore_barrier()
        @pl.loop(0, CPT // 8)
        def _(g):
            for b in range(8):
                pltpu.async_copy(buf, acc.at[dstv.at[g * 8 + b]], ssem,
                                 add=True)
            for b in range(8):
                pltpu.make_async_copy(buf,
                                      acc.at[dstv.at[g * 8 + b]],
                                      ssem).wait()

        plsc.subcore_barrier()
        pltpu.sync_copy(acc.at[sl], out_hbm.at[cid, sl, pl.ds(0, 16)])

    return deg


def _t1a_body(x_ref, w_ref, h_ref):
    h_ref[...] = jnp.dot(x_ref[...], w_ref[...],
                         preferred_element_type=jnp.float32)


def _t1a(x, W1):
    grid = (N_PAD // R_TC,)
    return pl.pallas_call(
        _t1a_body,
        grid=grid,
        in_specs=[
            pl.BlockSpec((R_TC, F_IN), lambda i: (i, 0)),
            pl.BlockSpec((F_IN, NHID), lambda i: (0, 0)),
        ],
        out_specs=pl.BlockSpec((R_TC, NHID), lambda i: (i, 0)),
        out_shape=jax.ShapeDtypeStruct((N_PAD, NHID), jnp.float32),
    )(x, W1)


def _t1b_body(h_ref, degp_ref, hs_ref, dinv_ref):
    degsum = degp_ref[0, :, :16] + degp_ref[1, :, :16]
    dinv = lax.rsqrt(degsum + 1.0)
    dinv_ref[...] = dinv
    hs_ref[...] = h_ref[...] * dinv[:, :1]


def _t1b(h1, degp):
    grid = (N_PAD // R_TC,)
    return pl.pallas_call(
        _t1b_body,
        grid=grid,
        in_specs=[
            pl.BlockSpec((R_TC, NHID), lambda i: (i, 0)),
            pl.BlockSpec((NC, R_TC, 128), lambda i: (0, i, 0)),
        ],
        out_specs=[
            pl.BlockSpec((R_TC, NHID), lambda i: (i, 0)),
            pl.BlockSpec((R_TC, 16), lambda i: (i, 0)),
        ],
        out_shape=[
            jax.ShapeDtypeStruct((N_PAD, NHID), jnp.float32),
            jax.ShapeDtypeStruct((N_PAD, 16), jnp.float32),
        ],
    )(h1, degp)


def _t2_body(agg_ref, hs_ref, dinv_ref, w_ref, b_ref, out_ref):
    a = agg_ref[0, :, :NHID] + agg_ref[1, :, :NHID] + hs_ref[...]
    dinv = dinv_ref[:, :1]
    out1 = jnp.maximum(dinv * a + b_ref[...], 0.0)
    h2 = jnp.dot(out1, w_ref[...], preferred_element_type=jnp.float32)
    out_ref[...] = h2 * dinv


def _t2(agg1, hs1, dinv, W2p, b1r):
    grid = (N_PAD // R_TC,)
    return pl.pallas_call(
        _t2_body,
        grid=grid,
        in_specs=[
            pl.BlockSpec((NC, R_TC, 128), lambda i: (0, i, 0)),
            pl.BlockSpec((R_TC, NHID), lambda i: (i, 0)),
            pl.BlockSpec((R_TC, 16), lambda i: (i, 0)),
            pl.BlockSpec((NHID, NCLSP), lambda i: (0, 0)),
            pl.BlockSpec((1, NHID), lambda i: (0, 0)),
        ],
        out_specs=pl.BlockSpec((R_TC, NCLSP), lambda i: (i, 0)),
        out_shape=jax.ShapeDtypeStruct((N_PAD, NCLSP), jnp.float32),
    )(agg1, hs1, dinv, W2p, b1r)


def _t3_body(agg_ref, hs_ref, dinv_ref, b_ref, out_ref):
    a = agg_ref[0, :, :NCLSP] + agg_ref[1, :, :NCLSP] + hs_ref[...]
    logits = dinv_ref[:, :1] * a + b_ref[...]
    col = lax.broadcasted_iota(jnp.int32, (R_TC, NCLSP), 1)
    logits = jnp.where(col < NCLS, logits, -jnp.inf)
    m = jnp.max(logits, axis=1, keepdims=True)
    ex = jnp.exp(logits - m)
    s = jnp.sum(ex, axis=1, keepdims=True)
    res = (logits - m) - jnp.log(s)
    out_ref[...] = res[:, :NCLS]


def _t3(agg2, hs2, dinv, b2r):
    grid = (N_PAD // R_TC,)
    return pl.pallas_call(
        _t3_body,
        grid=grid,
        in_specs=[
            pl.BlockSpec((NC, R_TC, 128), lambda i: (0, i, 0)),
            pl.BlockSpec((R_TC, NCLSP), lambda i: (i, 0)),
            pl.BlockSpec((R_TC, 16), lambda i: (i, 0)),
            pl.BlockSpec((1, NCLSP), lambda i: (0, 0)),
        ],
        out_specs=pl.BlockSpec((R_TC, NCLS), lambda i: (i, 0)),
        out_shape=jax.ShapeDtypeStruct((N, NCLS), jnp.float32),
    )(agg2, hs2, dinv, b2r)


def kernel(x, edge_index, W1, b1, W2, b2, sigma1, sigma2):
    del sigma1, sigma2
    src = edge_index[0].astype(jnp.int32)
    dst = edge_index[1].astype(jnp.int32)
    npad_e = E_PAD - E
    pad_idx = N + (jnp.arange(npad_e, dtype=jnp.int32) % (N_PAD - N))
    srcp = jnp.concatenate([src, pad_idx]).reshape(NS, CPT2, CHUNK)
    dstp = jnp.concatenate([dst, pad_idx]).reshape(NS, CPT2, CHUNK)
    W2p = jnp.pad(W2, ((0, 0), (0, NCLSP - NCLS)))
    b1r = b1.reshape(1, NHID)
    b2r = jnp.pad(b2, (0, NCLSP - NCLS)).reshape(1, NCLSP)
    zeros16 = jnp.zeros((ROWS_PER_TILE, 16), jnp.float32)
    zeros64 = jnp.zeros((ROWS_PER_TILE, NHID), jnp.float32)
    zeros48 = jnp.zeros((ROWS_PER_TILE, NCLSP), jnp.float32)
    degp = _make_deg()(dstp, zeros16)
    h1 = _t1a(x, W1)
    hs1, dinv = _t1b(h1, degp)
    agg1 = _make_edge_agg(NHID)(srcp, dstp, hs1, zeros64)
    hs2 = _t2(agg1, hs1, dinv, W2p, b1r)
    agg2 = _make_edge_agg(NCLSP)(srcp, dstp, hs2, zeros48)
    return _t3(agg2, hs2, dinv, b2r)

# --- scband reference (transcript-rebuilt; emitter-appended) ---
"""Pipeline reference for scband-masked-gcn-73942156968323 (READ-ONLY COPY).

The authoritative reference and input builder live on the scoring server;
editing this copy changes nothing except your own understanding.
"""

import jax, jax.numpy as jnp
import numpy as np

N = 10000
E = 320000
F_IN = 128
NHID = 64
NCLS = 40


def setup_inputs(seed: int = 0) -> dict:
    key = jax.random.key(seed)
    ks = jax.random.split(key, 8)
    x = jax.random.normal(ks[0], (N, F_IN), dtype=jnp.float32)
    edge_index = jax.random.randint(ks[1], (2, E), 0, N, dtype=jnp.int32)
    W1 = jax.random.normal(ks[2], (F_IN, NHID), dtype=jnp.float32) * (1.0 / np.sqrt(F_IN))
    b1 = jnp.zeros((NHID,), dtype=jnp.float32)
    W2 = jax.random.normal(ks[3], (NHID, NCLS), dtype=jnp.float32) * (1.0 / np.sqrt(NHID))
    b2 = jnp.zeros((NCLS,), dtype=jnp.float32)
    sigma1 = jax.random.uniform(ks[4], (F_IN,), dtype=jnp.float32)
    sigma2 = jax.random.uniform(ks[5], (NHID,), dtype=jnp.float32)
    return {"x": x, "edge_index": edge_index, "W1": W1, "b1": b1, "W2": W2, "b2": b2, "sigma1": sigma1, "sigma2": sigma2}


def _gcn_conv(x, src, dst, W, b, n):
    # GCNConv: x' = D^{-1/2} (A + I) D^{-1/2} X W + b  (self-loops already in src/dst)
    h = x @ W
    deg = jnp.zeros((n,), dtype=jnp.float32).at[dst].add(1.0)
    dinv = jax.lax.rsqrt(jnp.maximum(deg, 1.0))
    norm = dinv[src] * dinv[dst]
    msg = h[src] * norm[:, None]
    out = jnp.zeros((n, h.shape[1]), dtype=jnp.float32).at[dst].add(msg)
    return out + b


def reference(x, edge_index, W1, b1, W2, b2, sigma1, sigma2):
    n = x.shape[0]
    loop = jnp.arange(n, dtype=edge_index.dtype)
    src = jnp.concatenate([edge_index[0], loop])
    dst = jnp.concatenate([edge_index[1], loop])
    # mask_features: computes degree(edge_index) but returns x unchanged (no-op on features)
    _ = jnp.zeros((n,), dtype=jnp.float32).at[dst].add(1.0)
    h = _gcn_conv(x, src, dst, W1, b1, n)
    h = jax.nn.relu(h)
    # dropout is identity in eval mode
    out = _gcn_conv(h, src, dst, W2, b2, n)
    return jax.nn.log_softmax(out, axis=1)

if __name__ == "__main__":
    import jax
    _d = setup_inputs()
    print(jax.jit(kernel)(*tuple(_d.values())))

</pallas_src>

<mosaic_0001>
#map = affine_map<(d0, d1) -> (0, 0, 0)>
#map1 = affine_map<(d0, d1) -> (0, 0)>
module attributes {stable_mosaic.version = 14 : i64} {
  func.func @edge_agg(%arg0: i32, %arg1: i32, %arg2: memref<16x160x128xi32, #tpu.memory_space<hbm>>, %arg3: memref<16x160x128xi32, #tpu.memory_space<hbm>>, %arg4: memref<10240x48xf32, #tpu.memory_space<hbm>>, %arg5: memref<640x48xf32, #tpu.memory_space<hbm>>, %arg6: memref<2x10240x128xf32, #tpu.memory_space<hbm>>, %arg7: memref<80x128xi32, #tpu.memory_space<vmem>>, %arg8: memref<80x128xi32, #tpu.memory_space<vmem>>, %arg9: memref<128x48xf32, #tpu.memory_space<vmem>>, %arg10: memref<128x48xf32, #tpu.memory_space<vmem>>, %arg11: memref<10240x48xf32, #tpu.memory_space<vmem_shared>>, %arg12: memref<10240x48xf32, #tpu.memory_space<vmem_shared>>, %arg13: memref<!tpu.dma_semaphore, #tpu.memory_space<semaphore_mem>>, %arg14: memref<!tpu.dma_semaphore, #tpu.memory_space<semaphore_mem>>) attributes {dimension_semantics = [#tpu.dimension_semantics<core_parallel>, #tpu.dimension_semantics<subcore_parallel>], iteration_bounds = array<i64: 2, 16>, scalar_prefetch = 0 : i64, scratch_operands = 8 : i64, tpu.core_type = #tpu.core_type<sc_vector_subcore>, window_params = [{transform_indices = #map}, {transform_indices = #map}, {transform_indices = #map1}, {transform_indices = #map1}, {transform_indices = #map}]} {
    %mul3A = arith.constant 16 : i32
    %mul3A_0 = arith.muli %arg0, %mul3A : i32
    %add3A = arith.addi %mul3A_0, %arg1 : i32
    %mul3A_1 = arith.constant 640 : i32
    %mul3A_2 = arith.muli %arg1, %mul3A_1 : i32
    %jit3A = arith.constant 2 : i32
    %div3A = arith.divsi %add3A, %jit3A : i32
    %sign3A = arith.constant 0 : i32
    %sign3A_3 = arith.cmpi sgt, %add3A, %sign3A : i32
    %sign3A_4 = arith.extui %sign3A_3 : i1 to i32
    %sign3A_5 = arith.constant 0 : i32
    %sign3A_6 = arith.cmpi slt, %add3A, %sign3A_5 : i32
    %sign3A_7 = arith.extui %sign3A_6 : i1 to i32
    %sign3A_8 = arith.subi %sign3A_4, %sign3A_7 : i32
    %sign3A_9 = arith.constant 0 : i32
    %sign3A_10 = arith.cmpi sgt, %jit3A, %sign3A_9 : i32
    %sign3A_11 = arith.extui %sign3A_10 : i1 to i32
    %sign3A_12 = arith.constant 0 : i32
    %sign3A_13 = arith.cmpi slt, %jit3A, %sign3A_12 : i32
    %sign3A_14 = arith.extui %sign3A_13 : i1 to i32
    %sign3A_15 = arith.subi %sign3A_11, %sign3A_14 : i32
    %ne3A = arith.cmpi ne, %sign3A_8, %sign3A_15 : i32
    %rem3A = arith.remsi %add3A, %jit3A : i32
    %ne3A_16 = arith.constant 0 : i32
    %ne3A_17 = arith.cmpi ne, %rem3A, %ne3A_16 : i32
    %and3A = arith.andi %ne3A, %ne3A_17 : i1
    %sub3A = arith.constant 1 : i32
    %sub3A_18 = arith.subi %div3A, %sub3A : i32
    %select_n3A = arith.select %and3A, %sub3A_18, %div3A : i32
    %jit3A_19 = arith.constant 2 : i32
    %eq3A = arith.constant 0 : i32
    %eq3A_20 = arith.cmpi eq, %jit3A_19, %eq3A : i32
    %jit3A_21 = arith.constant 1 : i32
    %select_n3A_22 = arith.select %eq3A_20, %jit3A_21, %jit3A_19 : i32
    %rem3A_23 = arith.remsi %add3A, %select_n3A_22 : i32
    %ne3A_24 = arith.constant 0 : i32
    %ne3A_25 = arith.cmpi ne, %rem3A_23, %ne3A_24 : i32
    %lt3A = arith.constant 0 : i32
    %lt3A_26 = arith.cmpi slt, %rem3A_23, %lt3A : i32
    %lt3A_27 = arith.constant 0 : i32
    %lt3A_28 = arith.cmpi slt, %select_n3A_22, %lt3A_27 : i32
    %ne3A_29 = arith.xori %lt3A_26, %lt3A_28 : i1
    %and3A_30 = arith.andi %ne3A_29, %ne3A_25 : i1
    %add3A_31 = arith.addi %rem3A_23, %select_n3A_22 : i32
    %select_n3A_32 = arith.select %and3A_30, %add3A_31, %rem3A_23 : i32
    %mul3A_33 = arith.constant 80 : i32
    %mul3A_34 = arith.muli %select_n3A_32, %mul3A_33 : i32
    "tpu.region"() ({
      %run_scoped3A = tpu.sem_alloc : memref<!tpu.dma_semaphore, #tpu.memory_space<semaphore_mem>>
      %dma_start3A_88 = arith.constant 0 : i32
      %dma_start3A_89 = tpu.memref_slice %arg2[%select_n3A, %mul3A_34, %dma_start3A_88] : memref<16x160x128xi32, #tpu.memory_space<hbm>> -> memref<1x80x128xi32, #tpu.memory_space<hbm>>
      %dma_start3A_90 = tpu.memref_squeeze %dma_start3A_89 : memref<1x80x128xi32, #tpu.memory_space<hbm>> -> memref<80x128xi32, #tpu.memory_space<hbm>>
      %dma_start3A_91 = arith.constant 0 : i32
      %dma_start3A_92 = tpu.memref_slice %arg2[%select_n3A, %mul3A_34, %dma_start3A_91] : memref<16x160x128xi32, #tpu.memory_space<hbm>> -> memref<1x80x128xi32, #tpu.memory_space<hbm>>
      %dma_start3A_93 = tpu.memref_squeeze %dma_start3A_92 : memref<1x80x128xi32, #tpu.memory_space<hbm>> -> memref<80x128xi32, #tpu.memory_space<hbm>>
      tpu.enqueue_dma source(%dma_start3A_93 : memref<80x128xi32, #tpu.memory_space<hbm>>) target(%arg7 : memref<80x128xi32, #tpu.memory_space<vmem>>) target_semaphore(%run_scoped3A : memref<!tpu.dma_semaphore, #tpu.memory_space<semaphore_mem>>)
      %dma_wait3A = arith.constant 0 : i32
      %dma_wait3A_94 = tpu.memref_slice %arg2[%select_n3A, %mul3A_34, %dma_wait3A] : memref<16x160x128xi32, #tpu.memory_space<hbm>> -> memref<1x80x128xi32, #tpu.memory_space<hbm>>
      %dma_wait3A_95 = tpu.memref_squeeze %dma_wait3A_94 : memref<1x80x128xi32, #tpu.memory_space<hbm>> -> memref<80x128xi32, #tpu.memory_space<hbm>>
      %dma_wait3A_96 = arith.constant 0 : i32
      %dma_wait3A_97 = tpu.memref_slice %arg2[%select_n3A, %mul3A_34, %dma_wait3A_96] : memref<16x160x128xi32, #tpu.memory_space<hbm>> -> memref<1x80x128xi32, #tpu.memory_space<hbm>>
      %dma_wait3A_98 = tpu.memref_squeeze %dma_wait3A_97 : memref<1x80x128xi32, #tpu.memory_space<hbm>> -> memref<80x128xi32, #tpu.memory_space<hbm>>
      tpu.wait_dma2 semaphore(%run_scoped3A : memref<!tpu.dma_semaphore, #tpu.memory_space<semaphore_mem>>) src(%dma_wait3A_98 : memref<80x128xi32, #tpu.memory_space<hbm>>) dst(%arg7 : memref<80x128xi32, #tpu.memory_space<vmem>>)
      tpu.yield
    }) : () -> ()
    %jit3A_35 = arith.constant 2 : i32
    %div3A_36 = arith.divsi %add3A, %jit3A_35 : i32
    %sign3A_37 = arith.constant 0 : i32
    %sign3A_38 = arith.cmpi sgt, %add3A, %sign3A_37 : i32
    %sign3A_39 = arith.extui %sign3A_38 : i1 to i32
    %sign3A_40 = arith.constant 0 : i32
    %sign3A_41 = arith.cmpi slt, %add3A, %sign3A_40 : i32
    %sign3A_42 = arith.extui %sign3A_41 : i1 to i32
    %sign3A_43 = arith.subi %sign3A_39, %sign3A_42 : i32
    %sign3A_44 = arith.constant 0 : i32
    %sign3A_45 = arith.cmpi sgt, %jit3A_35, %sign3A_44 : i32
    %sign3A_46 = arith.extui %sign3A_45 : i1 to i32
    %sign3A_47 = arith.constant 0 : i32
    %sign3A_48 = arith.cmpi slt, %jit3A_35, %sign3A_47 : i32
    %sign3A_49 = arith.extui %sign3A_48 : i1 to i32
    %sign3A_50 = arith.subi %sign3A_46, %sign3A_49 : i32
    %ne3A_51 = arith.cmpi ne, %sign3A_43, %sign3A_50 : i32
    %rem3A_52 = arith.remsi %add3A, %jit3A_35 : i32
    %ne3A_53 = arith.constant 0 : i32
    %ne3A_54 = arith.cmpi ne, %rem3A_52, %ne3A_53 : i32
    %and3A_55 = arith.andi %ne3A_51, %ne3A_54 : i1
    %sub3A_56 = arith.constant 1 : i32
    %sub3A_57 = arith.subi %div3A_36, %sub3A_56 : i32
    %select_n3A_58 = arith.select %and3A_55, %sub3A_57, %div3A_36 : i32
    %jit3A_59 = arith.constant 2 : i32
    %eq3A_60 = arith.constant 0 : i32
    %eq3A_61 = arith.cmpi eq, %jit3A_59, %eq3A_60 : i32
    %jit3A_62 = arith.constant 1 : i32
    %select_n3A_63 = arith.select %eq3A_61, %jit3A_62, %jit3A_59 : i32
    %rem3A_64 = arith.remsi %add3A, %select_n3A_63 : i32
    %ne3A_65 = arith.constant 0 : i32
    %ne3A_66 = arith.cmpi ne, %rem3A_64, %ne3A_65 : i32
    %lt3A_67 = arith.constant 0 : i32
    %lt3A_68 = arith.cmpi slt, %rem3A_64, %lt3A_67 : i32
    %lt3A_69 = arith.constant 0 : i32
    %lt3A_70 = arith.cmpi slt, %select_n3A_63, %lt3A_69 : i32
    %ne3A_71 = arith.xori %lt3A_68, %lt3A_70 : i1
    %and3A_72 = arith.andi %ne3A_71, %ne3A_66 : i1
    %add3A_73 = arith.addi %rem3A_64, %select_n3A_63 : i32
    %select_n3A_74 = arith.select %and3A_72, %add3A_73, %rem3A_64 : i32
    %mul3A_75 = arith.constant 80 : i32
    %mul3A_76 = arith.muli %select_n3A_74, %mul3A_75 : i32
    "tpu.region"() ({
      %run_scoped3A = tpu.sem_alloc : memref<!tpu.dma_semaphore, #tpu.memory_space<semaphore_mem>>
      %dma_start3A_88 = arith.constant 0 : i32
      %dma_start3A_89 = tpu.memref_slice %arg3[%select_n3A_58, %mul3A_76, %dma_start3A_88] : memref<16x160x128xi32, #tpu.memory_space<hbm>> -> memref<1x80x128xi32, #tpu.memory_space<hbm>>
      %dma_start3A_90 = tpu.memref_squeeze %dma_start3A_89 : memref<1x80x128xi32, #tpu.memory_space<hbm>> -> memref<80x128xi32, #tpu.memory_space<hbm>>
      %dma_start3A_91 = arith.constant 0 : i32
      %dma_start3A_92 = tpu.memref_slice %arg3[%select_n3A_58, %mul3A_76, %dma_start3A_91] : memref<16x160x128xi32, #tpu.memory_space<hbm>> -> memref<1x80x128xi32, #tpu.memory_space<hbm>>
      %dma_start3A_93 = tpu.memref_squeeze %dma_start3A_92 : memref<1x80x128xi32, #tpu.memory_space<hbm>> -> memref<80x128xi32, #tpu.memory_space<hbm>>
      tpu.enqueue_dma source(%dma_start3A_93 : memref<80x128xi32, #tpu.memory_space<hbm>>) target(%arg8 : memref<80x128xi32, #tpu.memory_space<vmem>>) target_semaphore(%run_scoped3A : memref<!tpu.dma_semaphore, #tpu.memory_space<semaphore_mem>>)
      %dma_wait3A = arith.constant 0 : i32
      %dma_wait3A_94 = tpu.memref_slice %arg3[%select_n3A_58, %mul3A_76, %dma_wait3A] : memref<16x160x128xi32, #tpu.memory_space<hbm>> -> memref<1x80x128xi32, #tpu.memory_space<hbm>>
      %dma_wait3A_95 = tpu.memref_squeeze %dma_wait3A_94 : memref<1x80x128xi32, #tpu.memory_space<hbm>> -> memref<80x128xi32, #tpu.memory_space<hbm>>
      %dma_wait3A_96 = arith.constant 0 : i32
      %dma_wait3A_97 = tpu.memref_slice %arg3[%select_n3A_58, %mul3A_76, %dma_wait3A_96] : memref<16x160x128xi32, #tpu.memory_space<hbm>> -> memref<1x80x128xi32, #tpu.memory_space<hbm>>
      %dma_wait3A_98 = tpu.memref_squeeze %dma_wait3A_97 : memref<1x80x128xi32, #tpu.memory_space<hbm>> -> memref<80x128xi32, #tpu.memory_space<hbm>>
      tpu.wait_dma2 semaphore(%run_scoped3A : memref<!tpu.dma_semaphore, #tpu.memory_space<semaphore_mem>>) src(%dma_wait3A_98 : memref<80x128xi32, #tpu.memory_space<hbm>>) dst(%arg8 : memref<80x128xi32, #tpu.memory_space<vmem>>)
      tpu.yield
    }) : () -> ()
    "tpu.region"() ({
      %run_scoped3A = tpu.sem_alloc : memref<!tpu.dma_semaphore, #tpu.memory_space<semaphore_mem>>
      %dma_start3A_88 = arith.constant 0 : i32
      %dma_start3A_89 = tpu.memref_slice %arg11[%mul3A_2, %dma_start3A_88] : memref<10240x48xf32, #tpu.memory_space<vmem_shared>> -> memref<640x48xf32, #tpu.memory_space<vmem_shared>>
      tpu.enqueue_dma source(%arg5 : memref<640x48xf32, #tpu.memory_space<hbm>>) target(%dma_start3A_89 : memref<640x48xf32, #tpu.memory_space<vmem_shared>>) target_semaphore(%run_scoped3A : memref<!tpu.dma_semaphore, #tpu.memory_space<semaphore_mem>>)
      %dma_wait3A = arith.constant 0 : i32
      %dma_wait3A_90 = tpu.memref_slice %arg11[%mul3A_2, %dma_wait3A] : memref<10240x48xf32, #tpu.memory_space<vmem_shared>> -> memref<640x48xf32, #tpu.memory_space<vmem_shared>>
      tpu.wait_dma2 semaphore(%run_scoped3A : memref<!tpu.dma_semaphore, #tpu.memory_space<semaphore_mem>>) src(%arg5 : memref<640x48xf32, #tpu.memory_space<hbm>>) dst(%dma_wait3A_90 : memref<640x48xf32, #tpu.memory_space<vmem_shared>>)
      tpu.yield
    }) : () -> ()
    "tpu.region"() ({
      %run_scoped3A = tpu.sem_alloc : memref<!tpu.dma_semaphore, #tpu.memory_space<semaphore_mem>>
      %dma_start3A_88 = arith.constant 0 : i32
      %dma_start3A_89 = tpu.memref_slice %arg12[%mul3A_2, %dma_start3A_88] : memref<10240x48xf32, #tpu.memory_space<vmem_shared>> -> memref<640x48xf32, #tpu.memory_space<vmem_shared>>
      %dma_start3A_90 = arith.constant 0 : i32
      %dma_start3A_91 = tpu.memref_slice %arg4[%mul3A_2, %dma_start3A_90] : memref<10240x48xf32, #tpu.memory_space<hbm>> -> memref<640x48xf32, #tpu.memory_space<hbm>>
      tpu.enqueue_dma source(%dma_start3A_91 : memref<640x48xf32, #tpu.memory_space<hbm>>) target(%dma_start3A_89 : memref<640x48xf32, #tpu.memory_space<vmem_shared>>) target_semaphore(%run_scoped3A : memref<!tpu.dma_semaphore, #tpu.memory_space<semaphore_mem>>)
      %dma_wait3A = arith.constant 0 : i32
      %dma_wait3A_92 = tpu.memref_slice %arg12[%mul3A_2, %dma_wait3A] : memref<10240x48xf32, #tpu.memory_space<vmem_shared>> -> memref<640x48xf32, #tpu.memory_space<vmem_shared>>
      %dma_wait3A_93 = arith.constant 0 : i32
      %dma_wait3A_94 = tpu.memref_slice %arg4[%mul3A_2, %dma_wait3A_93] : memref<10240x48xf32, #tpu.memory_space<hbm>> -> memref<640x48xf32, #tpu.memory_space<hbm>>
      tpu.wait_dma2 semaphore(%run_scoped3A : memref<!tpu.dma_semaphore, #tpu.memory_space<semaphore_mem>>) src(%dma_wait3A_94 : memref<640x48xf32, #tpu.memory_space<hbm>>) dst(%dma_wait3A_92 : memref<640x48xf32, #tpu.memory_space<vmem_shared>>)
      tpu.yield
    }) : () -> ()
    %barrier3A = arith.constant 0 : index
    tpu.barrier barrier_id(%barrier3A)
    %dma_start3A = arith.constant 0 : i32
    %dma_start3A_77 = arith.constant 0 : i32
    %dma_start3A_78 = tpu.memref_slice %arg7[%dma_start3A, %dma_start3A_77] : memref<80x128xi32, #tpu.memory_space<vmem>> -> memref<1x128xi32, #tpu.memory_space<vmem>>
    %dma_start3A_79 = tpu.memref_squeeze %dma_start3A_78 : memref<1x128xi32, #tpu.memory_space<vmem>> -> memref<128xi32, #tpu.memory_space<vmem>>
    %dma_start3A_80 = arith.constant 0 : i32
    %dma_start3A_81 = arith.constant 0 : i32
    %dma_start3A_82 = tpu.memref_slice %arg12[%dma_start3A_80, %dma_start3A_81] : memref<10240x48xf32, #tpu.memory_space<vmem_shared>> -> memref<10240x48xf32, #tpu.memory_space<vmem_shared>>
    tpu.enqueue_indirect_dma source(%dma_start3A_82 : memref<10240x48xf32, #tpu.memory_space<vmem_shared>>) target(%arg9 : memref<128x48xf32, #tpu.memory_space<vmem>>) offsets(%dma_start3A_79 : memref<128xi32, #tpu.memory_space<vmem>>) semaphore(%arg13 : memref<!tpu.dma_semaphore, #tpu.memory_space<semaphore_mem>>)
    %scan3A = arith.constant 0 : i32
    %scan3A_83 = arith.constant 40 : i32
    %scan3A_84 = arith.addi %scan3A, %scan3A_83 : i32
    %scan3A_85 = arith.constant 1 : i32
    scf.for %scan3A_88 = %scan3A to %scan3A_84 step %scan3A_85  : i32 {
      %mul3A_89 = arith.constant 1 : i32
      %mul3A_90 = arith.muli %scan3A_88, %mul3A_89 : i32
      %add3A_91 = arith.constant 0 : i32
      %add3A_92 = arith.addi %add3A_91, %mul3A_90 : i32
      %mul3A_93 = arith.constant 2 : i32
      %mul3A_94 = arith.muli %add3A_92, %mul3A_93 : i32
      %dma_wait3A = arith.constant 0 : i32
      %dma_wait3A_95 = tpu.memref_slice %arg7[%mul3A_94, %dma_wait3A] : memref<80x128xi32, #tpu.memory_space<vmem>> -> memref<1x128xi32, #tpu.memory_space<vmem>>
      %dma_wait3A_96 = tpu.memref_squeeze %dma_wait3A_95 : memref<1x128xi32, #tpu.memory_space<vmem>> -> memref<128xi32, #tpu.memory_space<vmem>>
      %dma_wait3A_97 = arith.constant 0 : i32
      %dma_wait3A_98 = arith.constant 0 : i32
      %dma_wait3A_99 = tpu.memref_slice %arg12[%dma_wait3A_97, %dma_wait3A_98] : memref<10240x48xf32, #tpu.memory_space<vmem_shared>> -> memref<10240x48xf32, #tpu.memory_space<vmem_shared>>
      tpu.wait_indirect_dma semaphore(%arg13 : memref<!tpu.dma_semaphore, #tpu.memory_space<semaphore_mem>>) src(%dma_wait3A_99 : memref<10240x48xf32, #tpu.memory_space<vmem_shared>>) dst(%arg9 : memref<128x48xf32, #tpu.memory_space<vmem>>)
      %add3A_100 = arith.constant 1 : i32
      %add3A_101 = arith.addi %mul3A_94, %add3A_100 : i32
      %dma_start3A_102 = arith.constant 0 : i32
      %dma_start3A_103 = tpu.memref_slice %arg7[%add3A_101, %dma_start3A_102] : memref<80x128xi32, #tpu.memory_space<vmem>> -> memref<1x128xi32, #tpu.memory_space<vmem>>
      %dma_start3A_104 = tpu.memref_squeeze %dma_start3A_103 : memref<1x128xi32, #tpu.memory_space<vmem>> -> memref<128xi32, #tpu.memory_space<vmem>>
      %dma_start3A_105 = arith.constant 0 : i32
      %dma_start3A_106 = arith.constant 0 : i32
      %dma_start3A_107 = tpu.memref_slice %arg12[%dma_start3A_105, %dma_start3A_106] : memref<10240x48xf32, #tpu.memory_space<vmem_shared>> -> memref<10240x48xf32, #tpu.memory_space<vmem_shared>>
      tpu.enqueue_indirect_dma source(%dma_start3A_107 : memref<10240x48xf32, #tpu.memory_space<vmem_shared>>) target(%arg10 : memref<128x48xf32, #tpu.memory_space<vmem>>) offsets(%dma_start3A_104 : memref<128xi32, #tpu.memory_space<vmem>>) semaphore(%arg14 : memref<!tpu.dma_semaphore, #tpu.memory_space<semaphore_mem>>)
      "tpu.region"() ({
        %run_scoped3A = tpu.sem_alloc : memref<!tpu.dma_semaphore, #tpu.memory_space<semaphore_mem>>
        %dma_start3A_123 = arith.constant 0 : i32
        %dma_start3A_124 = tpu.memref_slice %arg8[%mul3A_94, %dma_start3A_123] : memref<80x128xi32, #tpu.memory_space<vmem>> -> memref<1x128xi32, #tpu.memory_space<vmem>>
        %dma_start3A_125 = tpu.memref_squeeze %dma_start3A_124 : memref<1x128xi32, #tpu.memory_space<vmem>> -> memref<128xi32, #tpu.memory_space<vmem>>
        %dma_start3A_126 = arith.constant 0 : i32
        %dma_start3A_127 = arith.constant 0 : i32
        %dma_start3A_128 = tpu.memref_slice %arg11[%dma_start3A_126, %dma_start3A_127] : memref<10240x48xf32, #tpu.memory_space<vmem_shared>> -> memref<10240x48xf32, #tpu.memory_space<vmem_shared>>
        tpu.enqueue_indirect_dma source(%arg9 : memref<128x48xf32, #tpu.memory_space<vmem>>) target(%dma_start3A_128 : memref<10240x48xf32, #tpu.memory_space<vmem_shared>>) offsets(%dma_start3A_125 : memref<128xi32, #tpu.memory_space<vmem>>) semaphore(%run_scoped3A : memref<!tpu.dma_semaphore, #tpu.memory_space<semaphore_mem>>) {add = true}
        %dma_wait3A_129 = arith.constant 0 : i32
        %dma_wait3A_130 = tpu.memref_slice %arg8[%mul3A_94, %dma_wait3A_129] : memref<80x128xi32, #tpu.memory_space<vmem>> -> memref<1x128xi32, #tpu.memory_space<vmem>>
        %dma_wait3A_131 = tpu.memref_squeeze %dma_wait3A_130 : memref<1x128xi32, #tpu.memory_space<vmem>> -> memref<128xi32, #tpu.memory_space<vmem>>
        %dma_wait3A_132 = arith.constant 0 : i32
        %dma_wait3A_133 = arith.constant 0 : i32
        %dma_wait3A_134 = tpu.memref_slice %arg11[%dma_wait3A_132, %dma_wait3A_133] : memref<10240x48xf32, #tpu.memory_space<vmem_shared>> -> memref<10240x48xf32, #tpu.memory_space<vmem_shared>>
        tpu.wait_indirect_dma semaphore(%run_scoped3A : memref<!tpu.dma_semaphore, #tpu.memory_space<semaphore_mem>>) src(%arg9 : memref<128x48xf32, #tpu.memory_space<vmem>>) dst(%dma_wait3A_134 : memref<10240x48xf32, #tpu.memory_space<vmem_shared>>)
        tpu.yield
      }) : () -> ()
      %add3A_108 = arith.constant 1 : i32
      %add3A_109 = arith.addi %mul3A_94, %add3A_108 : i32
      %dma_wait3A_110 = arith.constant 0 : i32
      %dma_wait3A_111 = tpu.memref_slice %arg7[%add3A_109, %dma_wait3A_110] : memref<80x128xi32, #tpu.memory_space<vmem>> -> memref<1x128xi32, #tpu.memory_space<vmem>>
      %dma_wait3A_112 = tpu.memref_squeeze %dma_wait3A_111 : memref<1x128xi32, #tpu.memory_space<vmem>> -> memref<128xi32, #tpu.memory_space<vmem>>
      %dma_wait3A_113 = arith.constant 0 : i32
      %dma_wait3A_114 = arith.constant 0 : i32
      %dma_wait3A_115 = tpu.memref_slice %arg12[%dma_wait3A_113, %dma_wait3A_114] : memref<10240x48xf32, #tpu.memory_space<vmem_shared>> -> memref<10240x48xf32, #tpu.memory_space<vmem_shared>>
      tpu.wait_indirect_dma semaphore(%arg14 : memref<!tpu.dma_semaphore, #tpu.memory_space<semaphore_mem>>) src(%dma_wait3A_115 : memref<10240x48xf32, #tpu.memory_space<vmem_shared>>) dst(%arg10 : memref<128x48xf32, #tpu.memory_space<vmem>>)
      %add3A_116 = arith.constant 2 : i32
      %add3A_117 = arith.addi %mul3A_94, %add3A_116 : i32
      %lt3A_118 = arith.constant 80 : i32
      %lt3A_119 = arith.cmpi slt, %add3A_117, %lt3A_118 : i32
      %convert_element_type3A = arith.extui %lt3A_119 : i1 to i32
      %cond3A = arith.constant 0 : i32
      %cond3A_120 = arith.cmpi ne, %convert_element_type3A, %cond3A : i32
      scf.if %cond3A_120 {
        %add3A_123 = arith.constant 2 : i32
        %add3A_124 = arith.addi %mul3A_94, %add3A_123 : i32
        %dma_start3A_125 = arith.constant 0 : i32
        %dma_start3A_126 = tpu.memref_slice %arg7[%add3A_124, %dma_start3A_125] : memref<80x128xi32, #tpu.memory_space<vmem>> -> memref<1x128xi32, #tpu.memory_space<vmem>>
        %dma_start3A_127 = tpu.memref_squeeze %dma_start3A_126 : memref<1x128xi32, #tpu.memory_space<vmem>> -> memref<128xi32, #tpu.memory_space<vmem>>
        %dma_start3A_128 = arith.constant 0 : i32
        %dma_start3A_129 = arith.constant 0 : i32
        %dma_start3A_130 = tpu.memref_slice %arg12[%dma_start3A_128, %dma_start3A_129] : memref<10240x48xf32, #tpu.memory_space<vmem_shared>> -> memref<10240x48xf32, #tpu.memory_space<vmem_shared>>
        tpu.enqueue_indirect_dma source(%dma_start3A_130 : memref<10240x48xf32, #tpu.memory_space<vmem_shared>>) target(%arg9 : memref<128x48xf32, #tpu.memory_space<vmem>>) offsets(%dma_start3A_127 : memref<128xi32, #tpu.memory_space<vmem>>) semaphore(%arg13 : memref<!tpu.dma_semaphore, #tpu.memory_space<semaphore_mem>>)
      } else {
      }
      %add3A_121 = arith.constant 1 : i32
      %add3A_122 = arith.addi %mul3A_94, %add3A_121 : i32
      "tpu.region"() ({
        %run_scoped3A = tpu.sem_alloc : memref<!tpu.dma_semaphore, #tpu.memory_space<semaphore_mem>>
        %dma_start3A_123 = arith.constant 0 : i32
        %dma_start3A_124 = tpu.memref_slice %arg8[%add3A_122, %dma_start3A_123] : memref<80x128xi32, #tpu.memory_space<vmem>> -> memref<1x128xi32, #tpu.memory_space<vmem>>
        %dma_start3A_125 = tpu.memref_squeeze %dma_start3A_124 : memref<1x128xi32, #tpu.memory_space<vmem>> -> memref<128xi32, #tpu.memory_space<vmem>>
        %dma_start3A_126 = arith.constant 0 : i32
        %dma_start3A_127 = arith.constant 0 : i32
        %dma_start3A_128 = tpu.memref_slice %arg11[%dma_start3A_126, %dma_start3A_127] : memref<10240x48xf32, #tpu.memory_space<vmem_shared>> -> memref<10240x48xf32, #tpu.memory_space<vmem_shared>>
        tpu.enqueue_indirect_dma source(%arg10 : memref<128x48xf32, #tpu.memory_space<vmem>>) target(%dma_start3A_128 : memref<10240x48xf32, #tpu.memory_space<vmem_shared>>) offsets(%dma_start3A_125 : memref<128xi32, #tpu.memory_space<vmem>>) semaphore(%run_scoped3A : memref<!tpu.dma_semaphore, #tpu.memory_space<semaphore_mem>>) {add = true}
        %dma_wait3A_129 = arith.constant 0 : i32
        %dma_wait3A_130 = tpu.memref_slice %arg8[%add3A_122, %dma_wait3A_129] : memref<80x128xi32, #tpu.memory_space<vmem>> -> memref<1x128xi32, #tpu.memory_space<vmem>>
        %dma_wait3A_131 = tpu.memref_squeeze %dma_wait3A_130 : memref<1x128xi32, #tpu.memory_space<vmem>> -> memref<128xi32, #tpu.memory_space<vmem>>
        %dma_wait3A_132 = arith.constant 0 : i32
        %dma_wait3A_133 = arith.constant 0 : i32
        %dma_wait3A_134 = tpu.memref_slice %arg11[%dma_wait3A_132, %dma_wait3A_133] : memref<10240x48xf32, #tpu.memory_space<vmem_shared>> -> memref<10240x48xf32, #tpu.memory_space<vmem_shared>>
        tpu.wait_indirect_dma semaphore(%run_scoped3A : memref<!tpu.dma_semaphore, #tpu.memory_space<semaphore_mem>>) src(%arg10 : memref<128x48xf32, #tpu.memory_space<vmem>>) dst(%dma_wait3A_134 : memref<10240x48xf32, #tpu.memory_space<vmem_shared>>)
        tpu.yield
      }) : () -> ()
    }
    %scan3A_86 = arith.constant 40 : i32
    %barrier3A_87 = arith.constant 0 : index
    tpu.barrier barrier_id(%barrier3A_87)
    "tpu.region"() ({
      %run_scoped3A = tpu.sem_alloc : memref<!tpu.dma_semaphore, #tpu.memory_space<semaphore_mem>>
      %dma_start3A_88 = arith.constant 0 : i32
      %dma_start3A_89 = tpu.memref_slice %arg6[%arg0, %mul3A_2, %dma_start3A_88] : memref<2x10240x128xf32, #tpu.memory_space<hbm>> -> memref<1x640x48xf32, #tpu.memory_space<hbm>>
      %dma_start3A_90 = tpu.memref_squeeze %dma_start3A_89 : memref<1x640x48xf32, #tpu.memory_space<hbm>> -> memref<640x48xf32, #tpu.memory_space<hbm>>
      %dma_start3A_91 = arith.constant 0 : i32
      %dma_start3A_92 = tpu.memref_slice %arg11[%mul3A_2, %dma_start3A_91] : memref<10240x48xf32, #tpu.memory_space<vmem_shared>> -> memref<640x48xf32, #tpu.memory_space<vmem_shared>>
      tpu.enqueue_dma source(%dma_start3A_92 : memref<640x48xf32, #tpu.memory_space<vmem_shared>>) target(%dma_start3A_90 : memref<640x48xf32, #tpu.memory_space<hbm>>) target_semaphore(%run_scoped3A : memref<!tpu.dma_semaphore, #tpu.memory_space<semaphore_mem>>)
      %dma_wait3A = arith.constant 0 : i32
      %dma_wait3A_93 = tpu.memref_slice %arg6[%arg0, %mul3A_2, %dma_wait3A] : memref<2x10240x128xf32, #tpu.memory_space<hbm>> -> memref<1x640x48xf32, #tpu.memory_space<hbm>>
      %dma_wait3A_94 = tpu.memref_squeeze %dma_wait3A_93 : memref<1x640x48xf32, #tpu.memory_space<hbm>> -> memref<640x48xf32, #tpu.memory_space<hbm>>
      %dma_wait3A_95 = arith.constant 0 : i32
      %dma_wait3A_96 = tpu.memref_slice %arg11[%mul3A_2, %dma_wait3A_95] : memref<10240x48xf32, #tpu.memory_space<vmem_shared>> -> memref<640x48xf32, #tpu.memory_space<vmem_shared>>
      tpu.wait_dma2 semaphore(%run_scoped3A : memref<!tpu.dma_semaphore, #tpu.memory_space<semaphore_mem>>) src(%dma_wait3A_96 : memref<640x48xf32, #tpu.memory_space<vmem_shared>>) dst(%dma_wait3A_94 : memref<640x48xf32, #tpu.memory_space<hbm>>)
      tpu.yield
    }) : () -> ()
    return
  }
}

#map = affine_map<(d0, d1) -> (0, 0, 0)>
#map1 = affine_map<(d0, d1) -> (0, 0)>
module attributes {stable_mosaic.version = 14 : i64} {
  func.func @deg(%arg0: i32, %arg1: i32, %arg2: memref<16x160x128xi32, #tpu.memory_space<hbm>>, %arg3: memref<640x16xf32, #tpu.memory_space<hbm>>, %arg4: memref<2x10240x128xf32, #tpu.memory_space<hbm>>, %arg5: memref<80x128xi32, #tpu.memory_space<vmem>>, %arg6: memref<128x16xf32, #tpu.memory_space<vmem>>, %arg7: memref<10240x16xf32, #tpu.memory_space<vmem_shared>>, %arg8: memref<!tpu.dma_semaphore, #tpu.memory_space<semaphore_mem>>, %arg9: memref<!tpu.dma_semaphore, #tpu.memory_space<semaphore_mem>>) attributes {dimension_semantics = [#tpu.dimension_semantics<core_parallel>, #tpu.dimension_semantics<subcore_parallel>], iteration_bounds = array<i64: 2, 16>, scalar_prefetch = 0 : i64, scratch_operands = 5 : i64, tpu.core_type = #tpu.core_type<sc_vector_subcore>, window_params = [{transform_indices = #map}, {transform_indices = #map1}, {transform_indices = #map}]} {
    %mul3A = arith.constant 16 : i32
    %mul3A_0 = arith.muli %arg0, %mul3A : i32
    %add3A = arith.addi %mul3A_0, %arg1 : i32
    %mul3A_1 = arith.constant 640 : i32
    %mul3A_2 = arith.muli %arg1, %mul3A_1 : i32
    %jit3A = arith.constant 2 : i32
    %div3A = arith.divsi %add3A, %jit3A : i32
    %sign3A = arith.constant 0 : i32
    %sign3A_3 = arith.cmpi sgt, %add3A, %sign3A : i32
    %sign3A_4 = arith.extui %sign3A_3 : i1 to i32
    %sign3A_5 = arith.constant 0 : i32
    %sign3A_6 = arith.cmpi slt, %add3A, %sign3A_5 : i32
    %sign3A_7 = arith.extui %sign3A_6 : i1 to i32
    %sign3A_8 = arith.subi %sign3A_4, %sign3A_7 : i32
    %sign3A_9 = arith.constant 0 : i32
    %sign3A_10 = arith.cmpi sgt, %jit3A, %sign3A_9 : i32
    %sign3A_11 = arith.extui %sign3A_10 : i1 to i32
    %sign3A_12 = arith.constant 0 : i32
    %sign3A_13 = arith.cmpi slt, %jit3A, %sign3A_12 : i32
    %sign3A_14 = arith.extui %sign3A_13 : i1 to i32
    %sign3A_15 = arith.subi %sign3A_11, %sign3A_14 : i32
    %ne3A = arith.cmpi ne, %sign3A_8, %sign3A_15 : i32
    %rem3A = arith.remsi %add3A, %jit3A : i32
    %ne3A_16 = arith.constant 0 : i32
    %ne3A_17 = arith.cmpi ne, %rem3A, %ne3A_16 : i32
    %and3A = arith.andi %ne3A, %ne3A_17 : i1
    %sub3A = arith.constant 1 : i32
    %sub3A_18 = arith.subi %div3A, %sub3A : i32
    %select_n3A = arith.select %and3A, %sub3A_18, %div3A : i32
    %jit3A_19 = arith.constant 2 : i32
    %eq3A = arith.constant 0 : i32
    %eq3A_20 = arith.cmpi eq, %jit3A_19, %eq3A : i32
    %jit3A_21 = arith.constant 1 : i32
    %select_n3A_22 = arith.select %eq3A_20, %jit3A_21, %jit3A_19 : i32
    %rem3A_23 = arith.remsi %add3A, %select_n3A_22 : i32
    %ne3A_24 = arith.constant 0 : i32
    %ne3A_25 = arith.cmpi ne, %rem3A_23, %ne3A_24 : i32
    %lt3A = arith.constant 0 : i32
    %lt3A_26 = arith.cmpi slt, %rem3A_23, %lt3A : i32
    %lt3A_27 = arith.constant 0 : i32
    %lt3A_28 = arith.cmpi slt, %select_n3A_22, %lt3A_27 : i32
    %ne3A_29 = arith.xori %lt3A_26, %lt3A_28 : i1
    %and3A_30 = arith.andi %ne3A_29, %ne3A_25 : i1
    %add3A_31 = arith.addi %rem3A_23, %select_n3A_22 : i32
    %select_n3A_32 = arith.select %and3A_30, %add3A_31, %rem3A_23 : i32
    %mul3A_33 = arith.constant 80 : i32
    %mul3A_34 = arith.muli %select_n3A_32, %mul3A_33 : i32
    %dma_start3A = arith.constant 0 : i32
    %dma_start3A_35 = tpu.memref_slice %arg2[%select_n3A, %mul3A_34, %dma_start3A] : memref<16x160x128xi32, #tpu.memory_space<hbm>> -> memref<1x80x128xi32, #tpu.memory_space<hbm>>
    %dma_start3A_36 = tpu.memref_squeeze %dma_start3A_35 : memref<1x80x128xi32, #tpu.memory_space<hbm>> -> memref<80x128xi32, #tpu.memory_space<hbm>>
    %dma_start3A_37 = arith.constant 0 : i32
    %dma_start3A_38 = tpu.memref_slice %arg2[%select_n3A, %mul3A_34, %dma_start3A_37] : memref<16x160x128xi32, #tpu.memory_space<hbm>> -> memref<1x80x128xi32, #tpu.memory_space<hbm>>
    %dma_start3A_39 = tpu.memref_squeeze %dma_start3A_38 : memref<1x80x128xi32, #tpu.memory_space<hbm>> -> memref<80x128xi32, #tpu.memory_space<hbm>>
    tpu.enqueue_dma source(%dma_start3A_39 : memref<80x128xi32, #tpu.memory_space<hbm>>) target(%arg5 : memref<80x128xi32, #tpu.memory_space<vmem>>) target_semaphore(%arg8 : memref<!tpu.dma_semaphore, #tpu.memory_space<semaphore_mem>>)
    %dma_start3A_40 = arith.constant 0 : i32
    %dma_start3A_41 = tpu.memref_slice %arg7[%mul3A_2, %dma_start3A_40] : memref<10240x16xf32, #tpu.memory_space<vmem_shared>> -> memref<640x16xf32, #tpu.memory_space<vmem_shared>>
    tpu.enqueue_dma source(%arg3 : memref<640x16xf32, #tpu.memory_space<hbm>>) target(%dma_start3A_41 : memref<640x16xf32, #tpu.memory_space<vmem_shared>>) target_semaphore(%arg9 : memref<!tpu.dma_semaphore, #tpu.memory_space<semaphore_mem>>)
    %broadcast_in_dim3A = arith.constant 1.000000e+00 : f32
    %broadcast_in_dim3A_42 = vector.broadcast %broadcast_in_dim3A : f32 to vector<16xf32>
    %scan3A = arith.constant 0 : i32
    %scan3A_43 = arith.constant 128 : i32
    %scan3A_44 = arith.addi %scan3A, %scan3A_43 : i32
    %scan3A_45 = arith.constant 1 : i32
    scf.for %scan3A_60 = %scan3A to %scan3A_44 step %scan3A_45  : i32 {
      %mul3A_61 = arith.constant 1 : i32
      %mul3A_62 = arith.muli %scan3A_60, %mul3A_61 : i32
      %add3A_63 = arith.constant 0 : i32
      %add3A_64 = arith.addi %add3A_63, %mul3A_62 : i32
      %swap3A = arith.index_cast %add3A_64 : i32 to index
      %swap3A_65 = arith.constant 0 : index
      %swap3A_66 = tpu.vector_load %arg6[%swap3A, %swap3A_65] {strides = array<i32>} : memref<128x16xf32, #tpu.memory_space<vmem>>, vector<1x16xf32>,
      %swap3A_67 = vector.shape_cast %swap3A_66 : vector<1x16xf32> to vector<16xf32>
      %swap3A_68 = vector.shape_cast %broadcast_in_dim3A_42 : vector<16xf32> to vector<1x16xf32>
      tpu.vector_store %arg6[%swap3A, %swap3A_65], %swap3A_68 {strides = array<i32>} : memref<128x16xf32, #tpu.memory_space<vmem>>, vector<1x16xf32>,
    }
    %scan3A_46 = arith.constant 128 : i32
    %dma_wait3A = arith.constant 0 : i32
    %dma_wait3A_47 = tpu.memref_slice %arg2[%select_n3A, %mul3A_34, %dma_wait3A] : memref<16x160x128xi32, #tpu.memory_space<hbm>> -> memref<1x80x128xi32, #tpu.memory_space<hbm>>
    %dma_wait3A_48 = tpu.memref_squeeze %dma_wait3A_47 : memref<1x80x128xi32, #tpu.memory_space<hbm>> -> memref<80x128xi32, #tpu.memory_space<hbm>>
    %dma_wait3A_49 = arith.constant 0 : i32
    %dma_wait3A_50 = tpu.memref_slice %arg2[%select_n3A, %mul3A_34, %dma_wait3A_49] : memref<16x160x128xi32, #tpu.memory_space<hbm>> -> memref<1x80x128xi32, #tpu.memory_space<hbm>>
    %dma_wait3A_51 = tpu.memref_squeeze %dma_wait3A_50 : memref<1x80x128xi32, #tpu.memory_space<hbm>> -> memref<80x128xi32, #tpu.memory_space<hbm>>
    tpu.wait_dma2 semaphore(%arg8 : memref<!tpu.dma_semaphore, #tpu.memory_space<semaphore_mem>>) src(%dma_wait3A_51 : memref<80x128xi32, #tpu.memory_space<hbm>>) dst(%arg5 : memref<80x128xi32, #tpu.memory_space<vmem>>)
    %dma_wait3A_52 = arith.constant 0 : i32
    %dma_wait3A_53 = tpu.memref_slice %arg7[%mul3A_2, %dma_wait3A_52] : memref<10240x16xf32, #tpu.memory_space<vmem_shared>> -> memref<640x16xf32, #tpu.memory_space<vmem_shared>>
    tpu.wait_dma2 semaphore(%arg9 : memref<!tpu.dma_semaphore, #tpu.memory_space<semaphore_mem>>) src(%arg3 : memref<640x16xf32, #tpu.memory_space<hbm>>) dst(%dma_wait3A_53 : memref<640x16xf32, #tpu.memory_space<vmem_shared>>)
    %barrier3A = arith.constant 0 : index
    tpu.barrier barrier_id(%barrier3A)
    %scan3A_54 = arith.constant 0 : i32
    %scan3A_55 = arith.constant 10 : i32
    %scan3A_56 = arith.addi %scan3A_54, %scan3A_55 : i32
    %scan3A_57 = arith.constant 1 : i32
    scf.for %scan3A_60 = %scan3A_54 to %scan3A_56 step %scan3A_57  : i32 {
      %mul3A_61 = arith.constant 1 : i32
      %mul3A_62 = arith.muli %scan3A_60, %mul3A_61 : i32
      %add3A_63 = arith.constant 0 : i32
      %add3A_64 = arith.addi %add3A_63, %mul3A_62 : i32
      %mul3A_65 = arith.constant 8 : i32
      %mul3A_66 = arith.muli %add3A_64, %mul3A_65 : i32
      %add3A_67 = arith.constant 0 : i32
      %add3A_68 = arith.addi %mul3A_66, %add3A_67 : i32
      %dma_start3A_69 = arith.constant 0 : i32
      %dma_start3A_70 = tpu.memref_slice %arg5[%add3A_68, %dma_start3A_69] : memref<80x128xi32, #tpu.memory_space<vmem>> -> memref<1x128xi32, #tpu.memory_space<vmem>>
      %dma_start3A_71 = tpu.memref_squeeze %dma_start3A_70 : memref<1x128xi32, #tpu.memory_space<vmem>> -> memref<128xi32, #tpu.memory_space<vmem>>
      %dma_start3A_72 = arith.constant 0 : i32
      %dma_start3A_73 = arith.constant 0 : i32
      %dma_start3A_74 = tpu.memref_slice %arg7[%dma_start3A_72, %dma_start3A_73] : memref<10240x16xf32, #tpu.memory_space<vmem_shared>> -> memref<10240x16xf32, #tpu.memory_space<vmem_shared>>
      tpu.enqueue_indirect_dma source(%arg6 : memref<128x16xf32, #tpu.memory_space<vmem>>) target(%dma_start3A_74 : memref<10240x16xf32, #tpu.memory_space<vmem_shared>>) offsets(%dma_start3A_71 : memref<128xi32, #tpu.memory_space<vmem>>) semaphore(%arg9 : memref<!tpu.dma_semaphore, #tpu.memory_space<semaphore_mem>>) {add = true}
      %mul3A_75 = arith.constant 8 : i32
      %mul3A_76 = arith.muli %add3A_64, %mul3A_75 : i32
      %add3A_77 = arith.constant 1 : i32
      %add3A_78 = arith.addi %mul3A_76, %add3A_77 : i32
      %dma_start3A_79 = arith.constant 0 : i32
      %dma_start3A_80 = tpu.memref_slice %arg5[%add3A_78, %dma_start3A_79] : memref<80x128xi32, #tpu.memory_space<vmem>> -> memref<1x128xi32, #tpu.memory_space<vmem>>
      %dma_start3A_81 = tpu.memref_squeeze %dma_start3A_80 : memref<1x128xi32, #tpu.memory_space<vmem>> -> memref<128xi32, #tpu.memory_space<vmem>>
      %dma_start3A_82 = arith.constant 0 : i32
      %dma_start3A_83 = arith.constant 0 : i32
      %dma_start3A_84 = tpu.memref_slice %arg7[%dma_start3A_82, %dma_start3A_83] : memref<10240x16xf32, #tpu.memory_space<vmem_shared>> -> memref<10240x16xf32, #tpu.memory_space<vmem_shared>>
      tpu.enqueue_indirect_dma source(%arg6 : memref<128x16xf32, #tpu.memory_space<vmem>>) target(%dma_start3A_84 : memref<10240x16xf32, #tpu.memory_space<vmem_shared>>) offsets(%dma_start3A_81 : memref<128xi32, #tpu.memory_space<vmem>>) semaphore(%arg9 : memref<!tpu.dma_semaphore, #tpu.memory_space<semaphore_mem>>) {add = true}
      %mul3A_85 = arith.constant 8 : i32
      %mul3A_86 = arith.muli %add3A_64, %mul3A_85 : i32
      %add3A_87 = arith.constant 2 : i32
      %add3A_88 = arith.addi %mul3A_86, %add3A_87 : i32
      %dma_start3A_89 = arith.constant 0 : i32
      %dma_start3A_90 = tpu.memref_slice %arg5[%add3A_88, %dma_start3A_89] : memref<80x128xi32, #tpu.memory_space<vmem>> -> memref<1x128xi32, #tpu.memory_space<vmem>>
      %dma_start3A_91 = tpu.memref_squeeze %dma_start3A_90 : memref<1x128xi32, #tpu.memory_space<vmem>> -> memref<128xi32, #tpu.memory_space<vmem>>
      %dma_start3A_92 = arith.constant 0 : i32
      %dma_start3A_93 = arith.constant 0 : i32
      %dma_start3A_94 = tpu.memref_slice %arg7[%dma_start3A_92, %dma_start3A_93] : memref<10240x16xf32, #tpu.memory_space<vmem_shared>> -> memref<10240x16xf32, #tpu.memory_space<vmem_shared>>
      tpu.enqueue_indirect_dma source(%arg6 : memref<128x16xf32, #tpu.memory_space<vmem>>) target(%dma_start3A_94 : memref<10240x16xf32, #tpu.memory_space<vmem_shared>>) offsets(%dma_start3A_91 : memref<128xi32, #tpu.memory_space<vmem>>) semaphore(%arg9 : memref<!tpu.dma_semaphore, #tpu.memory_space<semaphore_mem>>) {add = true}
      %mul3A_95 = arith.constant 8 : i32
      %mul3A_96 = arith.muli %add3A_64, %mul3A_95 : i32
      %add3A_97 = arith.constant 3 : i32
      %add3A_98 = arith.addi %mul3A_96, %add3A_97 : i32
      %dma_start3A_99 = arith.constant 0 : i32
      %dma_start3A_100 = tpu.memref_slice %arg5[%add3A_98, %dma_start3A_99] : memref<80x128xi32, #tpu.memory_space<vmem>> -> memref<1x128xi32, #tpu.memory_space<vmem>>
      %dma_start3A_101 = tpu.memref_squeeze %dma_start3A_100 : memref<1x128xi32, #tpu.memory_space<vmem>> -> memref<128xi32, #tpu.memory_space<vmem>>
      %dma_start3A_102 = arith.constant 0 : i32
      %dma_start3A_103 = arith.constant 0 : i32
      %dma_start3A_104 = tpu.memref_slice %arg7[%dma_start3A_102, %dma_start3A_103] : memref<10240x16xf32, #tpu.memory_space<vmem_shared>> -> memref<10240x16xf32, #tpu.memory_space<vmem_shared>>
      tpu.enqueue_indirect_dma source(%arg6 : memref<128x16xf32, #tpu.memory_space<vmem>>) target(%dma_start3A_104 : memref<10240x16xf32, #tpu.memory_space<vmem_shared>>) offsets(%dma_start3A_101 : memref<128xi32, #tpu.memory_space<vmem>>) semaphore(%arg9 : memref<!tpu.dma_semaphore, #tpu.memory_space<semaphore_mem>>) {add = true}
      %mul3A_105 = arith.constant 8 : i32
      %mul3A_106 = arith.muli %add3A_64, %mul3A_105 : i32
      %add3A_107 = arith.constant 4 : i32
      %add3A_108 = arith.addi %mul3A_106, %add3A_107 : i32
      %dma_start3A_109 = arith.constant 0 : i32
      %dma_start3A_110 = tpu.memref_slice %arg5[%add3A_108, %dma_start3A_109] : memref<80x128xi32, #tpu.memory_space<vmem>> -> memref<1x128xi32, #tpu.memory_space<vmem>>
      %dma_start3A_111 = tpu.memref_squeeze %dma_start3A_110 : memref<1x128xi32, #tpu.memory_space<vmem>> -> memref<128xi32, #tpu.memory_space<vmem>>
      %dma_start3A_112 = arith.constant 0 : i32
      %dma_start3A_113 = arith.constant 0 : i32
      %dma_start3A_114 = tpu.memref_slice %arg7[%dma_start3A_112, %dma_start3A_113] : memref<10240x16xf32, #tpu.memory_space<vmem_shared>> -> memref<10240x16xf32, #tpu.memory_space<vmem_shared>>
      tpu.enqueue_indirect_dma source(%arg6 : memref<128x16xf32, #tpu.memory_space<vmem>>) target(%dma_start3A_114 : memref<10240x16xf32, #tpu.memory_space<vmem_shared>>) offsets(%dma_start3A_111 : memref<128xi32, #tpu.memory_space<vmem>>) semaphore(%arg9 : memref<!tpu.dma_semaphore, #tpu.memory_space<semaphore_mem>>) {add = true}
      %mul3A_115 = arith.constant 8 : i32
      %mul3A_116 = arith.muli %add3A_64, %mul3A_115 : i32
      %add3A_117 = arith.constant 5 : i32
      %add3A_118 = arith.addi %mul3A_116, %add3A_117 : i32
      %dma_start3A_119 = arith.constant 0 : i32
      %dma_start3A_120 = tpu.memref_slice %arg5[%add3A_118, %dma_start3A_119] : memref<80x128xi32, #tpu.memory_space<vmem>> -> memref<1x128xi32, #tpu.memory_space<vmem>>
      %dma_start3A_121 = tpu.memref_squeeze %dma_start3A_120 : memref<1x128xi32, #tpu.memory_space<vmem>> -> memref<128xi32, #tpu.memory_space<vmem>>
      %dma_start3A_122 = arith.constant 0 : i32
      %dma_start3A_123 = arith.constant 0 : i32
      %dma_start3A_124 = tpu.memref_slice %arg7[%dma_start3A_122, %dma_start3A_123] : memref<10240x16xf32, #tpu.memory_space<vmem_shared>> -> memref<10240x16xf32, #tpu.memory_space<vmem_shared>>
      tpu.enqueue_indirect_dma source(%arg6 : memref<128x16xf32, #tpu.memory_space<vmem>>) target(%dma_start3A_124 : memref<10240x16xf32, #tpu.memory_space<vmem_shared>>) offsets(%dma_start3A_121 : memref<128xi32, #tpu.memory_space<vmem>>) semaphore(%arg9 : memref<!tpu.dma_semaphore, #tpu.memory_space<semaphore_mem>>) {add = true}
      %mul3A_125 = arith.constant 8 : i32
      %mul3A_126 = arith.muli %add3A_64, %mul3A_125 : i32
      %add3A_127 = arith.constant 6 : i32
      %add3A_128 = arith.addi %mul3A_126, %add3A_127 : i32
      %dma_start3A_129 = arith.constant 0 : i32
      %dma_start3A_130 = tpu.memref_slice %arg5[%add3A_128, %dma_start3A_129] : memref<80x128xi32, #tpu.memory_space<vmem>> -> memref<1x128xi32, #tpu.memory_space<vmem>>
      %dma_start3A_131 = tpu.memref_squeeze %dma_start3A_130 : memref<1x128xi32, #tpu.memory_space<vmem>> -> memref<128xi32, #tpu.memory_space<vmem>>
      %dma_start3A_132 = arith.constant 0 : i32
      %dma_start3A_133 = arith.constant 0 : i32
      %dma_start3A_134 = tpu.memref_slice %arg7[%dma_start3A_132, %dma_start3A_133] : memref<10240x16xf32, #tpu.memory_space<vmem_shared>> -> memref<10240x16xf32, #tpu.memory_space<vmem_shared>>
      tpu.enqueue_indirect_dma source(%arg6 : memref<128x16xf32, #tpu.memory_space<vmem>>) target(%dma_start3A_134 : memref<10240x16xf32, #tpu.memory_space<vmem_shared>>) offsets(%dma_start3A_131 : memref<128xi32, #tpu.memory_space<vmem>>) semaphore(%arg9 : memref<!tpu.dma_semaphore, #tpu.memory_space<semaphore_mem>>) {add = true}
      %mul3A_135 = arith.constant 8 : i32
      %mul3A_136 = arith.muli %add3A_64, %mul3A_135 : i32
      %add3A_137 = arith.constant 7 : i32
      %add3A_138 = arith.addi %mul3A_136, %add3A_137 : i32
      %dma_start3A_139 = arith.constant 0 : i32
      %dma_start3A_140 = tpu.memref_slice %arg5[%add3A_138, %dma_start3A_139] : memref<80x128xi32, #tpu.memory_space<vmem>> -> memref<1x128xi32, #tpu.memory_space<vmem>>
      %dma_start3A_141 = tpu.memref_squeeze %dma_start3A_140 : memref<1x128xi32, #tpu.memory_space<vmem>> -> memref<128xi32, #tpu.memory_space<vmem>>
      %dma_start3A_142 = arith.constant 0 : i32
      %dma_start3A_143 = arith.constant 0 : i32
      %dma_start3A_144 = tpu.memref_slice %arg7[%dma_start3A_142, %dma_start3A_143] : memref<10240x16xf32, #tpu.memory_space<vmem_shared>> -> memref<10240x16xf32, #tpu.memory_space<vmem_shared>>
      tpu.enqueue_indirect_dma source(%arg6 : memref<128x16xf32, #tpu.memory_space<vmem>>) target(%dma_start3A_144 : memref<10240x16xf32, #tpu.memory_space<vmem_shared>>) offsets(%dma_start3A_141 : memref<128xi32, #tpu.memory_space<vmem>>) semaphore(%arg9 : memref<!tpu.dma_semaphore, #tpu.memory_space<semaphore_mem>>) {add = true}
      %mul3A_145 = arith.constant 8 : i32
      %mul3A_146 = arith.muli %add3A_64, %mul3A_145 : i32
      %add3A_147 = arith.constant 0 : i32
      %add3A_148 = arith.addi %mul3A_146, %add3A_147 : i32
      %dma_wait3A_149 = arith.constant 0 : i32
      %dma_wait3A_150 = tpu.memref_slice %arg5[%add3A_148, %dma_wait3A_149] : memref<80x128xi32, #tpu.memory_space<vmem>> -> memref<1x128xi32, #tpu.memory_space<vmem>>
      %dma_wait3A_151 = tpu.memref_squeeze %dma_wait3A_150 : memref<1x128xi32, #tpu.memory_space<vmem>> -> memref<128xi32, #tpu.memory_space<vmem>>
      %dma_wait3A_152 = arith.constant 0 : i32
      %dma_wait3A_153 = arith.constant 0 : i32
      %dma_wait3A_154 = tpu.memref_slice %arg7[%dma_wait3A_152, %dma_wait3A_153] : memref<10240x16xf32, #tpu.memory_space<vmem_shared>> -> memref<10240x16xf32, #tpu.memory_space<vmem_shared>>
      tpu.wait_indirect_dma semaphore(%arg9 : memref<!tpu.dma_semaphore, #tpu.memory_space<semaphore_mem>>) src(%arg6 : memref<128x16xf32, #tpu.memory_space<vmem>>) dst(%dma_wait3A_154 : memref<10240x16xf32, #tpu.memory_space<vmem_shared>>)
      %mul3A_155 = arith.constant 8 : i32
      %mul3A_156 = arith.muli %add3A_64, %mul3A_155 : i32
      %add3A_157 = arith.constant 1 : i32
      %add3A_158 = arith.addi %mul3A_156, %add3A_157 : i32
      %dma_wait3A_159 = arith.constant 0 : i32
      %dma_wait3A_160 = tpu.memref_slice %arg5[%add3A_158, %dma_wait3A_159] : memref<80x128xi32, #tpu.memory_space<vmem>> -> memref<1x128xi32, #tpu.memory_space<vmem>>
      %dma_wait3A_161 = tpu.memref_squeeze %dma_wait3A_160 : memref<1x128xi32, #tpu.memory_space<vmem>> -> memref<128xi32, #tpu.memory_space<vmem>>
      %dma_wait3A_162 = arith.constant 0 : i32
      %dma_wait3A_163 = arith.constant 0 : i32
      %dma_wait3A_164 = tpu.memref_slice %arg7[%dma_wait3A_162, %dma_wait3A_163] : memref<10240x16xf32, #tpu.memory_space<vmem_shared>> -> memref<10240x16xf32, #tpu.memory_space<vmem_shared>>
      tpu.wait_indirect_dma semaphore(%arg9 : memref<!tpu.dma_semaphore, #tpu.memory_space<semaphore_mem>>) src(%arg6 : memref<128x16xf32, #tpu.memory_space<vmem>>) dst(%dma_wait3A_164 : memref<10240x16xf32, #tpu.memory_space<vmem_shared>>)
      %mul3A_165 = arith.constant 8 : i32
      %mul3A_166 = arith.muli %add3A_64, %mul3A_165 : i32
      %add3A_167 = arith.constant 2 : i32
      %add3A_168 = arith.addi %mul3A_166, %add3A_167 : i32
      %dma_wait3A_169 = arith.constant 0 : i32
      %dma_wait3A_170 = tpu.memref_slice %arg5[%add3A_168, %dma_wait3A_169] : memref<80x128xi32, #tpu.memory_space<vmem>> -> memref<1x128xi32, #tpu.memory_space<vmem>>
      %dma_wait3A_171 = tpu.memref_squeeze %dma_wait3A_170 : memref<1x128xi32, #tpu.memory_space<vmem>> -> memref<128xi32, #tpu.memory_space<vmem>>
      %dma_wait3A_172 = arith.constant 0 : i32
      %dma_wait3A_173 = arith.constant 0 : i32
      %dma_wait3A_174 = tpu.memref_slice %arg7[%dma_wait3A_172, %dma_wait3A_173] : memref<10240x16xf32, #tpu.memory_space<vmem_shared>> -> memref<10240x16xf32, #tpu.memory_space<vmem_shared>>
      tpu.wait_indirect_dma semaphore(%arg9 : memref<!tpu.dma_semaphore, #tpu.memory_space<semaphore_mem>>) src(%arg6 : memref<128x16xf32, #tpu.memory_space<vmem>>) dst(%dma_wait3A_174 : memref<10240x16xf32, #tpu.memory_space<vmem_shared>>)
      %mul3A_175 = arith.constant 8 : i32
      %mul3A_176 = arith.muli %add3A_64, %mul3A_175 : i32
      %add3A_177 = arith.constant 3 : i32
      %add3A_178 = arith.addi %mul3A_176, %add3A_177 : i32
      %dma_wait3A_179 = arith.constant 0 : i32
      %dma_wait3A_180 = tpu.memref_slice %arg5[%add3A_178, %dma_wait3A_179] : memref<80x128xi32, #tpu.memory_space<vmem>> -> memref<1x128xi32, #tpu.memory_space<vmem>>
      %dma_wait3A_181 = tpu.memref_squeeze %dma_wait3A_180 : memref<1x128xi32, #tpu.memory_space<vmem>> -> memref<128xi32, #tpu.memory_space<vmem>>
      %dma_wait3A_182 = arith.constant 0 : i32
      %dma_wait3A_183 = arith.constant 0 : i32
      %dma_wait3A_184 = tpu.memref_slice %arg7[%dma_wait3A_182, %dma_wait3A_183] : memref<10240x16xf32, #tpu.memory_space<vmem_shared>> -> memref<10240x16xf32, #tpu.memory_space<vmem_shared>>
      tpu.wait_indirect_dma semaphore(%arg9 : memref<!tpu.dma_semaphore, #tpu.memory_space<semaphore_mem>>) src(%arg6 : memref<128x16xf32, #tpu.memory_space<vmem>>) dst(%dma_wait3A_184 : memref<10240x16xf32, #tpu.memory_space<vmem_shared>>)
      %mul3A_185 = arith.constant 8 : i32
      %mul3A_186 = arith.muli %add3A_64, %mul3A_185 : i32
      %add3A_187 = arith.constant 4 : i32
      %add3A_188 = arith.addi %mul3A_186, %add3A_187 : i32
      %dma_wait3A_189 = arith.constant 0 : i32
      %dma_wait3A_190 = tpu.memref_slice %arg5[%add3A_188, %dma_wait3A_189] : memref<80x128xi32, #tpu.memory_space<vmem>> -> memref<1x128xi32, #tpu.memory_space<vmem>>
      %dma_wait3A_191 = tpu.memref_squeeze %dma_wait3A_190 : memref<1x128xi32, #tpu.memory_space<vmem>> -> memref<128xi32, #tpu.memory_space<vmem>>
      %dma_wait3A_192 = arith.constant 0 : i32
      %dma_wait3A_193 = arith.constant 0 : i32
      %dma_wait3A_194 = tpu.memref_slice %arg7[%dma_wait3A_192, %dma_wait3A_193] : memref<10240x16xf32, #tpu.memory_space<vmem_shared>> -> memref<10240x16xf32, #tpu.memory_space<vmem_shared>>
      tpu.wait_indirect_dma semaphore(%arg9 : memref<!tpu.dma_semaphore, #tpu.memory_space<semaphore_mem>>) src(%arg6 : memref<128x16xf32, #tpu.memory_space<vmem>>) dst(%dma_wait3A_194 : memref<10240x16xf32, #tpu.memory_space<vmem_shared>>)
      %mul3A_195 = arith.constant 8 : i32
      %mul3A_196 = arith.muli %add3A_64, %mul3A_195 : i32
      %add3A_197 = arith.constant 5 : i32
      %add3A_198 = arith.addi %mul3A_196, %add3A_197 : i32
      %dma_wait3A_199 = arith.constant 0 : i32
      %dma_wait3A_200 = tpu.memref_slice %arg5[%add3A_198, %dma_wait3A_199] : memref<80x128xi32, #tpu.memory_space<vmem>> -> memref<1x128xi32, #tpu.memory_space<vmem>>
      %dma_wait3A_201 = tpu.memref_squeeze %dma_wait3A_200 : memref<1x128xi32, #tpu.memory_space<vmem>> -> memref<128xi32, #tpu.memory_space<vmem>>
      %dma_wait3A_202 = arith.constant 0 : i32
      %dma_wait3A_203 = arith.constant 0 : i32
      %dma_wait3A_204 = tpu.memref_slice %arg7[%dma_wait3A_202, %dma_wait3A_203] : memref<10240x16xf32, #tpu.memory_space<vmem_shared>> -> memref<10240x16xf32, #tpu.memory_space<vmem_shared>>
      tpu.wait_indirect_dma semaphore(%arg9 : memref<!tpu.dma_semaphore, #tpu.memory_space<semaphore_mem>>) src(%arg6 : memref<128x16xf32, #tpu.memory_space<vmem>>) dst(%dma_wait3A_204 : memref<10240x16xf32, #tpu.memory_space<vmem_shared>>)
      %mul3A_205 = arith.constant 8 : i32
      %mul3A_206 = arith.muli %add3A_64, %mul3A_205 : i32
      %add3A_207 = arith.constant 6 : i32
      %add3A_208 = arith.addi %mul3A_206, %add3A_207 : i32
      %dma_wait3A_209 = arith.constant 0 : i32
      %dma_wait3A_210 = tpu.memref_slice %arg5[%add3A_208, %dma_wait3A_209] : memref<80x128xi32, #tpu.memory_space<vmem>> -> memref<1x128xi32, #tpu.memory_space<vmem>>
      %dma_wait3A_211 = tpu.memref_squeeze %dma_wait3A_210 : memref<1x128xi32, #tpu.memory_space<vmem>> -> memref<128xi32, #tpu.memory_space<vmem>>
      %dma_wait3A_212 = arith.constant 0 : i32
      %dma_wait3A_213 = arith.constant 0 : i32
      %dma_wait3A_214 = tpu.memref_slice %arg7[%dma_wait3A_212, %dma_wait3A_213] : memref<10240x16xf32, #tpu.memory_space<vmem_shared>> -> memref<10240x16xf32, #tpu.memory_space<vmem_shared>>
      tpu.wait_indirect_dma semaphore(%arg9 : memref<!tpu.dma_semaphore, #tpu.memory_space<semaphore_mem>>) src(%arg6 : memref<128x16xf32, #tpu.memory_space<vmem>>) dst(%dma_wait3A_214 : memref<10240x16xf32, #tpu.memory_space<vmem_shared>>)
      %mul3A_215 = arith.constant 8 : i32
      %mul3A_216 = arith.muli %add3A_64, %mul3A_215 : i32
      %add3A_217 = arith.constant 7 : i32
      %add3A_218 = arith.addi %mul3A_216, %add3A_217 : i32
      %dma_wait3A_219 = arith.constant 0 : i32
      %dma_wait3A_220 = tpu.memref_slice %arg5[%add3A_218, %dma_wait3A_219] : memref<80x128xi32, #tpu.memory_space<vmem>> -> memref<1x128xi32, #tpu.memory_space<vmem>>
      %dma_wait3A_221 = tpu.memref_squeeze %dma_wait3A_220 : memref<1x128xi32, #tpu.memory_space<vmem>> -> memref<128xi32, #tpu.memory_space<vmem>>
      %dma_wait3A_222 = arith.constant 0 : i32
      %dma_wait3A_223 = arith.constant 0 : i32
      %dma_wait3A_224 = tpu.memref_slice %arg7[%dma_wait3A_222, %dma_wait3A_223] : memref<10240x16xf32, #tpu.memory_space<vmem_shared>> -> memref<10240x16xf32, #tpu.memory_space<vmem_shared>>
      tpu.wait_indirect_dma semaphore(%arg9 : memref<!tpu.dma_semaphore, #tpu.memory_space<semaphore_mem>>) src(%arg6 : memref<128x16xf32, #tpu.memory_space<vmem>>) dst(%dma_wait3A_224 : memref<10240x16xf32, #tpu.memory_space<vmem_shared>>)
    }
    %scan3A_58 = arith.constant 10 : i32
    %barrier3A_59 = arith.constant 0 : index
    tpu.barrier barrier_id(%barrier3A_59)
    "tpu.region"() ({
      %run_scoped3A = tpu.sem_alloc : memref<!tpu.dma_semaphore, #tpu.memory_space<semaphore_mem>>
      %dma_start3A_60 = arith.constant 0 : i32
      %dma_start3A_61 = tpu.memref_slice %arg4[%arg0, %mul3A_2, %dma_start3A_60] : memref<2x10240x128xf32, #tpu.memory_space<hbm>> -> memref<1x640x16xf32, #tpu.memory_space<hbm>>
      %dma_start3A_62 = tpu.memref_squeeze %dma_start3A_61 : memref<1x640x16xf32, #tpu.memory_space<hbm>> -> memref<640x16xf32, #tpu.memory_space<hbm>>
      %dma_start3A_63 = arith.constant 0 : i32
      %dma_start3A_64 = tpu.memref_slice %arg7[%mul3A_2, %dma_start3A_63] : memref<10240x16xf32, #tpu.memory_space<vmem_shared>> -> memref<640x16xf32, #tpu.memory_space<vmem_shared>>
      tpu.enqueue_dma source(%dma_start3A_64 : memref<640x16xf32, #tpu.memory_space<vmem_shared>>) target(%dma_start3A_62 : memref<640x16xf32, #tpu.memory_space<hbm>>) target_semaphore(%run_scoped3A : memref<!tpu.dma_semaphore, #tpu.memory_space<semaphore_mem>>)
      %dma_wait3A_65 = arith.constant 0 : i32
      %dma_wait3A_66 = tpu.memref_slice %arg4[%arg0, %mul3A_2, %dma_wait3A_65] : memref<2x10240x128xf32, #tpu.memory_space<hbm>> -> memref<1x640x16xf32, #tpu.memory_space<hbm>>
      %dma_wait3A_67 = tpu.memref_squeeze %dma_wait3A_66 : memref<1x640x16xf32, #tpu.memory_space<hbm>> -> memref<640x16xf32, #tpu.memory_space<hbm>>
      %dma_wait3A_68 = arith.constant 0 : i32
      %dma_wait3A_69 = tpu.memref_slice %arg7[%mul3A_2, %dma_wait3A_68] : memref<10240x16xf32, #tpu.memory_space<vmem_shared>> -> memref<640x16xf32, #tpu.memory_space<vmem_shared>>
      tpu.wait_dma2 semaphore(%run_scoped3A : memref<!tpu.dma_semaphore, #tpu.memory_space<semaphore_mem>>) src(%dma_wait3A_69 : memref<640x16xf32, #tpu.memory_space<vmem_shared>>) dst(%dma_wait3A_67 : memref<640x16xf32, #tpu.memory_space<hbm>>)
      tpu.yield
    }) : () -> ()
    return
  }
}

#map = affine_map<(d0, d1) -> (0, 0, 0)>
#map1 = affine_map<(d0, d1) -> (0, 0)>
module attributes {stable_mosaic.version = 14 : i64} {
  func.func @edge_agg(%arg0: i32, %arg1: i32, %arg2: memref<16x160x128xi32, #tpu.memory_space<hbm>>, %arg3: memref<16x160x128xi32, #tpu.memory_space<hbm>>, %arg4: memref<10240x64xf32, #tpu.memory_space<hbm>>, %arg5: memref<640x64xf32, #tpu.memory_space<hbm>>, %arg6: memref<2x10240x128xf32, #tpu.memory_space<hbm>>, %arg7: memref<80x128xi32, #tpu.memory_space<vmem>>, %arg8: memref<80x128xi32, #tpu.memory_space<vmem>>, %arg9: memref<128x64xf32, #tpu.memory_space<vmem>>, %arg10: memref<128x64xf32, #tpu.memory_space<vmem>>, %arg11: memref<10240x64xf32, #tpu.memory_space<vmem_shared>>, %arg12: memref<10240x64xf32, #tpu.memory_space<vmem_shared>>, %arg13: memref<!tpu.dma_semaphore, #tpu.memory_space<semaphore_mem>>, %arg14: memref<!tpu.dma_semaphore, #tpu.memory_space<semaphore_mem>>) attributes {dimension_semantics = [#tpu.dimension_semantics<core_parallel>, #tpu.dimension_semantics<subcore_parallel>], iteration_bounds = array<i64: 2, 16>, scalar_prefetch = 0 : i64, scratch_operands = 8 : i64, tpu.core_type = #tpu.core_type<sc_vector_subcore>, window_params = [{transform_indices = #map}, {transform_indices = #map}, {transform_indices = #map1}, {transform_indices = #map1}, {transform_indices = #map}]} {
    %mul3A = arith.constant 16 : i32
    %mul3A_0 = arith.muli %arg0, %mul3A : i32
    %add3A = arith.addi %mul3A_0, %arg1 : i32
    %mul3A_1 = arith.constant 640 : i32
    %mul3A_2 = arith.muli %arg1, %mul3A_1 : i32
    %jit3A = arith.constant 2 : i32
    %div3A = arith.divsi %add3A, %jit3A : i32
    %sign3A = arith.constant 0 : i32
    %sign3A_3 = arith.cmpi sgt, %add3A, %sign3A : i32
    %sign3A_4 = arith.extui %sign3A_3 : i1 to i32
    %sign3A_5 = arith.constant 0 : i32
    %sign3A_6 = arith.cmpi slt, %add3A, %sign3A_5 : i32
    %sign3A_7 = arith.extui %sign3A_6 : i1 to i32
    %sign3A_8 = arith.subi %sign3A_4, %sign3A_7 : i32
    %sign3A_9 = arith.constant 0 : i32
    %sign3A_10 = arith.cmpi sgt, %jit3A, %sign3A_9 : i32
    %sign3A_11 = arith.extui %sign3A_10 : i1 to i32
    %sign3A_12 = arith.constant 0 : i32
    %sign3A_13 = arith.cmpi slt, %jit3A, %sign3A_12 : i32
    %sign3A_14 = arith.extui %sign3A_13 : i1 to i32
    %sign3A_15 = arith.subi %sign3A_11, %sign3A_14 : i32
    %ne3A = arith.cmpi ne, %sign3A_8, %sign3A_15 : i32
    %rem3A = arith.remsi %add3A, %jit3A : i32
    %ne3A_16 = arith.constant 0 : i32
    %ne3A_17 = arith.cmpi ne, %rem3A, %ne3A_16 : i32
    %and3A = arith.andi %ne3A, %ne3A_17 : i1
    %sub3A = arith.constant 1 : i32
    %sub3A_18 = arith.subi %div3A, %sub3A : i32
    %select_n3A = arith.select %and3A, %sub3A_18, %div3A : i32
    %jit3A_19 = arith.constant 2 : i32
    %eq3A = arith.constant 0 : i32
    %eq3A_20 = arith.cmpi eq, %jit3A_19, %eq3A : i32
    %jit3A_21 = arith.constant 1 : i32
    %select_n3A_22 = arith.select %eq3A_20, %jit3A_21, %jit3A_19 : i32
    %rem3A_23 = arith.remsi %add3A, %select_n3A_22 : i32
    %ne3A_24 = arith.constant 0 : i32
    %ne3A_25 = arith.cmpi ne, %rem3A_23, %ne3A_24 : i32
    %lt3A = arith.constant 0 : i32
    %lt3A_26 = arith.cmpi slt, %rem3A_23, %lt3A : i32
    %lt3A_27 = arith.constant 0 : i32
    %lt3A_28 = arith.cmpi slt, %select_n3A_22, %lt3A_27 : i32
    %ne3A_29 = arith.xori %lt3A_26, %lt3A_28 : i1
    %and3A_30 = arith.andi %ne3A_29, %ne3A_25 : i1
    %add3A_31 = arith.addi %rem3A_23, %select_n3A_22 : i32
    %select_n3A_32 = arith.select %and3A_30, %add3A_31, %rem3A_23 : i32
    %mul3A_33 = arith.constant 80 : i32
    %mul3A_34 = arith.muli %select_n3A_32, %mul3A_33 : i32
    "tpu.region"() ({
      %run_scoped3A = tpu.sem_alloc : memref<!tpu.dma_semaphore, #tpu.memory_space<semaphore_mem>>
      %dma_start3A_88 = arith.constant 0 : i32
      %dma_start3A_89 = tpu.memref_slice %arg2[%select_n3A, %mul3A_34, %dma_start3A_88] : memref<16x160x128xi32, #tpu.memory_space<hbm>> -> memref<1x80x128xi32, #tpu.memory_space<hbm>>
      %dma_start3A_90 = tpu.memref_squeeze %dma_start3A_89 : memref<1x80x128xi32, #tpu.memory_space<hbm>> -> memref<80x128xi32, #tpu.memory_space<hbm>>
      %dma_start3A_91 = arith.constant 0 : i32
      %dma_start3A_92 = tpu.memref_slice %arg2[%select_n3A, %mul3A_34, %dma_start3A_91] : memref<16x160x128xi32, #tpu.memory_space<hbm>> -> memref<1x80x128xi32, #tpu.memory_space<hbm>>
      %dma_start3A_93 = tpu.memref_squeeze %dma_start3A_92 : memref<1x80x128xi32, #tpu.memory_space<hbm>> -> memref<80x128xi32, #tpu.memory_space<hbm>>
      tpu.enqueue_dma source(%dma_start3A_93 : memref<80x128xi32, #tpu.memory_space<hbm>>) target(%arg7 : memref<80x128xi32, #tpu.memory_space<vmem>>) target_semaphore(%run_scoped3A : memref<!tpu.dma_semaphore, #tpu.memory_space<semaphore_mem>>)
      %dma_wait3A = arith.constant 0 : i32
      %dma_wait3A_94 = tpu.memref_slice %arg2[%select_n3A, %mul3A_34, %dma_wait3A] : memref<16x160x128xi32, #tpu.memory_space<hbm>> -> memref<1x80x128xi32, #tpu.memory_space<hbm>>
      %dma_wait3A_95 = tpu.memref_squeeze %dma_wait3A_94 : memref<1x80x128xi32, #tpu.memory_space<hbm>> -> memref<80x128xi32, #tpu.memory_space<hbm>>
      %dma_wait3A_96 = arith.constant 0 : i32
      %dma_wait3A_97 = tpu.memref_slice %arg2[%select_n3A, %mul3A_34, %dma_wait3A_96] : memref<16x160x128xi32, #tpu.memory_space<hbm>> -> memref<1x80x128xi32, #tpu.memory_space<hbm>>
      %dma_wait3A_98 = tpu.memref_squeeze %dma_wait3A_97 : memref<1x80x128xi32, #tpu.memory_space<hbm>> -> memref<80x128xi32, #tpu.memory_space<hbm>>
      tpu.wait_dma2 semaphore(%run_scoped3A : memref<!tpu.dma_semaphore, #tpu.memory_space<semaphore_mem>>) src(%dma_wait3A_98 : memref<80x128xi32, #tpu.memory_space<hbm>>) dst(%arg7 : memref<80x128xi32, #tpu.memory_space<vmem>>)
      tpu.yield
    }) : () -> ()
    %jit3A_35 = arith.constant 2 : i32
    %div3A_36 = arith.divsi %add3A, %jit3A_35 : i32
    %sign3A_37 = arith.constant 0 : i32
    %sign3A_38 = arith.cmpi sgt, %add3A, %sign3A_37 : i32
    %sign3A_39 = arith.extui %sign3A_38 : i1 to i32
    %sign3A_40 = arith.constant 0 : i32
    %sign3A_41 = arith.cmpi slt, %add3A, %sign3A_40 : i32
    %sign3A_42 = arith.extui %sign3A_41 : i1 to i32
    %sign3A_43 = arith.subi %sign3A_39, %sign3A_42 : i32
    %sign3A_44 = arith.constant 0 : i32
    %sign3A_45 = arith.cmpi sgt, %jit3A_35, %sign3A_44 : i32
    %sign3A_46 = arith.extui %sign3A_45 : i1 to i32
    %sign3A_47 = arith.constant 0 : i32
    %sign3A_48 = arith.cmpi slt, %jit3A_35, %sign3A_47 : i32
    %sign3A_49 = arith.extui %sign3A_48 : i1 to i32
    %sign3A_50 = arith.subi %sign3A_46, %sign3A_49 : i32
    %ne3A_51 = arith.cmpi ne, %sign3A_43, %sign3A_50 : i32
    %rem3A_52 = arith.remsi %add3A, %jit3A_35 : i32
    %ne3A_53 = arith.constant 0 : i32
    %ne3A_54 = arith.cmpi ne, %rem3A_52, %ne3A_53 : i32
    %and3A_55 = arith.andi %ne3A_51, %ne3A_54 : i1
    %sub3A_56 = arith.constant 1 : i32
    %sub3A_57 = arith.subi %div3A_36, %sub3A_56 : i32
    %select_n3A_58 = arith.select %and3A_55, %sub3A_57, %div3A_36 : i32
    %jit3A_59 = arith.constant 2 : i32
    %eq3A_60 = arith.constant 0 : i32
    %eq3A_61 = arith.cmpi eq, %jit3A_59, %eq3A_60 : i32
    %jit3A_62 = arith.constant 1 : i32
    %select_n3A_63 = arith.select %eq3A_61, %jit3A_62, %jit3A_59 : i32
    %rem3A_64 = arith.remsi %add3A, %select_n3A_63 : i32
    %ne3A_65 = arith.constant 0 : i32
    %ne3A_66 = arith.cmpi ne, %rem3A_64, %ne3A_65 : i32
    %lt3A_67 = arith.constant 0 : i32
    %lt3A_68 = arith.cmpi slt, %rem3A_64, %lt3A_67 : i32
    %lt3A_69 = arith.constant 0 : i32
    %lt3A_70 = arith.cmpi slt, %select_n3A_63, %lt3A_69 : i32
    %ne3A_71 = arith.xori %lt3A_68, %lt3A_70 : i1
    %and3A_72 = arith.andi %ne3A_71, %ne3A_66 : i1
    %add3A_73 = arith.addi %rem3A_64, %select_n3A_63 : i32
    %select_n3A_74 = arith.select %and3A_72, %add3A_73, %rem3A_64 : i32
    %mul3A_75 = arith.constant 80 : i32
    %mul3A_76 = arith.muli %select_n3A_74, %mul3A_75 : i32
    "tpu.region"() ({
      %run_scoped3A = tpu.sem_alloc : memref<!tpu.dma_semaphore, #tpu.memory_space<semaphore_mem>>
      %dma_start3A_88 = arith.constant 0 : i32
      %dma_start3A_89 = tpu.memref_slice %arg3[%select_n3A_58, %mul3A_76, %dma_start3A_88] : memref<16x160x128xi32, #tpu.memory_space<hbm>> -> memref<1x80x128xi32, #tpu.memory_space<hbm>>
      %dma_start3A_90 = tpu.memref_squeeze %dma_start3A_89 : memref<1x80x128xi32, #tpu.memory_space<hbm>> -> memref<80x128xi32, #tpu.memory_space<hbm>>
      %dma_start3A_91 = arith.constant 0 : i32
      %dma_start3A_92 = tpu.memref_slice %arg3[%select_n3A_58, %mul3A_76, %dma_start3A_91] : memref<16x160x128xi32, #tpu.memory_space<hbm>> -> memref<1x80x128xi32, #tpu.memory_space<hbm>>
      %dma_start3A_93 = tpu.memref_squeeze %dma_start3A_92 : memref<1x80x128xi32, #tpu.memory_space<hbm>> -> memref<80x128xi32, #tpu.memory_space<hbm>>
      tpu.enqueue_dma source(%dma_start3A_93 : memref<80x128xi32, #tpu.memory_space<hbm>>) target(%arg8 : memref<80x128xi32, #tpu.memory_space<vmem>>) target_semaphore(%run_scoped3A : memref<!tpu.dma_semaphore, #tpu.memory_space<semaphore_mem>>)
      %dma_wait3A = arith.constant 0 : i32
      %dma_wait3A_94 = tpu.memref_slice %arg3[%select_n3A_58, %mul3A_76, %dma_wait3A] : memref<16x160x128xi32, #tpu.memory_space<hbm>> -> memref<1x80x128xi32, #tpu.memory_space<hbm>>
      %dma_wait3A_95 = tpu.memref_squeeze %dma_wait3A_94 : memref<1x80x128xi32, #tpu.memory_space<hbm>> -> memref<80x128xi32, #tpu.memory_space<hbm>>
      %dma_wait3A_96 = arith.constant 0 : i32
      %dma_wait3A_97 = tpu.memref_slice %arg3[%select_n3A_58, %mul3A_76, %dma_wait3A_96] : memref<16x160x128xi32, #tpu.memory_space<hbm>> -> memref<1x80x128xi32, #tpu.memory_space<hbm>>
      %dma_wait3A_98 = tpu.memref_squeeze %dma_wait3A_97 : memref<1x80x128xi32, #tpu.memory_space<hbm>> -> memref<80x128xi32, #tpu.memory_space<hbm>>
      tpu.wait_dma2 semaphore(%run_scoped3A : memref<!tpu.dma_semaphore, #tpu.memory_space<semaphore_mem>>) src(%dma_wait3A_98 : memref<80x128xi32, #tpu.memory_space<hbm>>) dst(%arg8 : memref<80x128xi32, #tpu.memory_space<vmem>>)
      tpu.yield
    }) : () -> ()
    "tpu.region"() ({
      %run_scoped3A = tpu.sem_alloc : memref<!tpu.dma_semaphore, #tpu.memory_space<semaphore_mem>>
      %dma_start3A_88 = arith.constant 0 : i32
      %dma_start3A_89 = tpu.memref_slice %arg11[%mul3A_2, %dma_start3A_88] : memref<10240x64xf32, #tpu.memory_space<vmem_shared>> -> memref<640x64xf32, #tpu.memory_space<vmem_shared>>
      tpu.enqueue_dma source(%arg5 : memref<640x64xf32, #tpu.memory_space<hbm>>) target(%dma_start3A_89 : memref<640x64xf32, #tpu.memory_space<vmem_shared>>) target_semaphore(%run_scoped3A : memref<!tpu.dma_semaphore, #tpu.memory_space<semaphore_mem>>)
      %dma_wait3A = arith.constant 0 : i32
      %dma_wait3A_90 = tpu.memref_slice %arg11[%mul3A_2, %dma_wait3A] : memref<10240x64xf32, #tpu.memory_space<vmem_shared>> -> memref<640x64xf32, #tpu.memory_space<vmem_shared>>
      tpu.wait_dma2 semaphore(%run_scoped3A : memref<!tpu.dma_semaphore, #tpu.memory_space<semaphore_mem>>) src(%arg5 : memref<640x64xf32, #tpu.memory_space<hbm>>) dst(%dma_wait3A_90 : memref<640x64xf32, #tpu.memory_space<vmem_shared>>)
      tpu.yield
    }) : () -> ()
    "tpu.region"() ({
      %run_scoped3A = tpu.sem_alloc : memref<!tpu.dma_semaphore, #tpu.memory_space<semaphore_mem>>
      %dma_start3A_88 = arith.constant 0 : i32
      %dma_start3A_89 = tpu.memref_slice %arg12[%mul3A_2, %dma_start3A_88] : memref<10240x64xf32, #tpu.memory_space<vmem_shared>> -> memref<640x64xf32, #tpu.memory_space<vmem_shared>>
      %dma_start3A_90 = arith.constant 0 : i32
      %dma_start3A_91 = tpu.memref_slice %arg4[%mul3A_2, %dma_start3A_90] : memref<10240x64xf32, #tpu.memory_space<hbm>> -> memref<640x64xf32, #tpu.memory_space<hbm>>
      tpu.enqueue_dma source(%dma_start3A_91 : memref<640x64xf32, #tpu.memory_space<hbm>>) target(%dma_start3A_89 : memref<640x64xf32, #tpu.memory_space<vmem_shared>>) target_semaphore(%run_scoped3A : memref<!tpu.dma_semaphore, #tpu.memory_space<semaphore_mem>>)
      %dma_wait3A = arith.constant 0 : i32
      %dma_wait3A_92 = tpu.memref_slice %arg12[%mul3A_2, %dma_wait3A] : memref<10240x64xf32, #tpu.memory_space<vmem_shared>> -> memref<640x64xf32, #tpu.memory_space<vmem_shared>>
      %dma_wait3A_93 = arith.constant 0 : i32
      %dma_wait3A_94 = tpu.memref_slice %arg4[%mul3A_2, %dma_wait3A_93] : memref<10240x64xf32, #tpu.memory_space<hbm>> -> memref<640x64xf32, #tpu.memory_space<hbm>>
      tpu.wait_dma2 semaphore(%run_scoped3A : memref<!tpu.dma_semaphore, #tpu.memory_space<semaphore_mem>>) src(%dma_wait3A_94 : memref<640x64xf32, #tpu.memory_space<hbm>>) dst(%dma_wait3A_92 : memref<640x64xf32, #tpu.memory_space<vmem_shared>>)
      tpu.yield
    }) : () -> ()
    %barrier3A = arith.constant 0 : index
    tpu.barrier barrier_id(%barrier3A)
    %dma_start3A = arith.constant 0 : i32
    %dma_start3A_77 = arith.constant 0 : i32
    %dma_start3A_78 = tpu.memref_slice %arg7[%dma_start3A, %dma_start3A_77] : memref<80x128xi32, #tpu.memory_space<vmem>> -> memref<1x128xi32, #tpu.memory_space<vmem>>
    %dma_start3A_79 = tpu.memref_squeeze %dma_start3A_78 : memref<1x128xi32, #tpu.memory_space<vmem>> -> memref<128xi32, #tpu.memory_space<vmem>>
    %dma_start3A_80 = arith.constant 0 : i32
    %dma_start3A_81 = arith.constant 0 : i32
    %dma_start3A_82 = tpu.memref_slice %arg12[%dma_start3A_80, %dma_start3A_81] : memref<10240x64xf32, #tpu.memory_space<vmem_shared>> -> memref<10240x64xf32, #tpu.memory_space<vmem_shared>>
    tpu.enqueue_indirect_dma source(%dma_start3A_82 : memref<10240x64xf32, #tpu.memory_space<vmem_shared>>) target(%arg9 : memref<128x64xf32, #tpu.memory_space<vmem>>) offsets(%dma_start3A_79 : memref<128xi32, #tpu.memory_space<vmem>>) semaphore(%arg13 : memref<!tpu.dma_semaphore, #tpu.memory_space<semaphore_mem>>)
    %scan3A = arith.constant 0 : i32
    %scan3A_83 = arith.constant 40 : i32
    %scan3A_84 = arith.addi %scan3A, %scan3A_83 : i32
    %scan3A_85 = arith.constant 1 : i32
    scf.for %scan3A_88 = %scan3A to %scan3A_84 step %scan3A_85  : i32 {
      %mul3A_89 = arith.constant 1 : i32
      %mul3A_90 = arith.muli %scan3A_88, %mul3A_89 : i32
      %add3A_91 = arith.constant 0 : i32
      %add3A_92 = arith.addi %add3A_91, %mul3A_90 : i32
      %mul3A_93 = arith.constant 2 : i32
      %mul3A_94 = arith.muli %add3A_92, %mul3A_93 : i32
      %dma_wait3A = arith.constant 0 : i32
      %dma_wait3A_95 = tpu.memref_slice %arg7[%mul3A_94, %dma_wait3A] : memref<80x128xi32, #tpu.memory_space<vmem>> -> memref<1x128xi32, #tpu.memory_space<vmem>>
      %dma_wait3A_96 = tpu.memref_squeeze %dma_wait3A_95 : memref<1x128xi32, #tpu.memory_space<vmem>> -> memref<128xi32, #tpu.memory_space<vmem>>
      %dma_wait3A_97 = arith.constant 0 : i32
      %dma_wait3A_98 = arith.constant 0 : i32
      %dma_wait3A_99 = tpu.memref_slice %arg12[%dma_wait3A_97, %dma_wait3A_98] : memref<10240x64xf32, #tpu.memory_space<vmem_shared>> -> memref<10240x64xf32, #tpu.memory_space<vmem_shared>>
      tpu.wait_indirect_dma semaphore(%arg13 : memref<!tpu.dma_semaphore, #tpu.memory_space<semaphore_mem>>) src(%dma_wait3A_99 : memref<10240x64xf32, #tpu.memory_space<vmem_shared>>) dst(%arg9 : memref<128x64xf32, #tpu.memory_space<vmem>>)
      %add3A_100 = arith.constant 1 : i32
      %add3A_101 = arith.addi %mul3A_94, %add3A_100 : i32
      %dma_start3A_102 = arith.constant 0 : i32
      %dma_start3A_103 = tpu.memref_slice %arg7[%add3A_101, %dma_start3A_102] : memref<80x128xi32, #tpu.memory_space<vmem>> -> memref<1x128xi32, #tpu.memory_space<vmem>>
      %dma_start3A_104 = tpu.memref_squeeze %dma_start3A_103 : memref<1x128xi32, #tpu.memory_space<vmem>> -> memref<128xi32, #tpu.memory_space<vmem>>
      %dma_start3A_105 = arith.constant 0 : i32
      %dma_start3A_106 = arith.constant 0 : i32
      %dma_start3A_107 = tpu.memref_slice %arg12[%dma_start3A_105, %dma_start3A_106] : memref<10240x64xf32, #tpu.memory_space<vmem_shared>> -> memref<10240x64xf32, #tpu.memory_space<vmem_shared>>
      tpu.enqueue_indirect_dma source(%dma_start3A_107 : memref<10240x64xf32, #tpu.memory_space<vmem_shared>>) target(%arg10 : memref<128x64xf32, #tpu.memory_space<vmem>>) offsets(%dma_start3A_104 : memref<128xi32, #tpu.memory_space<vmem>>) semaphore(%arg14 : memref<!tpu.dma_semaphore, #tpu.memory_space<semaphore_mem>>)
      "tpu.region"() ({
        %run_scoped3A = tpu.sem_alloc : memref<!tpu.dma_semaphore, #tpu.memory_space<semaphore_mem>>
        %dma_start3A_123 = arith.constant 0 : i32
        %dma_start3A_124 = tpu.memref_slice %arg8[%mul3A_94, %dma_start3A_123] : memref<80x128xi32, #tpu.memory_space<vmem>> -> memref<1x128xi32, #tpu.memory_space<vmem>>
        %dma_start3A_125 = tpu.memref_squeeze %dma_start3A_124 : memref<1x128xi32, #tpu.memory_space<vmem>> -> memref<128xi32, #tpu.memory_space<vmem>>
        %dma_start3A_126 = arith.constant 0 : i32
        %dma_start3A_127 = arith.constant 0 : i32
        %dma_start3A_128 = tpu.memref_slice %arg11[%dma_start3A_126, %dma_start3A_127] : memref<10240x64xf32, #tpu.memory_space<vmem_shared>> -> memref<10240x64xf32, #tpu.memory_space<vmem_shared>>
        tpu.enqueue_indirect_dma source(%arg9 : memref<128x64xf32, #tpu.memory_space<vmem>>) target(%dma_start3A_128 : memref<10240x64xf32, #tpu.memory_space<vmem_shared>>) offsets(%dma_start3A_125 : memref<128xi32, #tpu.memory_space<vmem>>) semaphore(%run_scoped3A : memref<!tpu.dma_semaphore, #tpu.memory_space<semaphore_mem>>) {add = true}
        %dma_wait3A_129 = arith.constant 0 : i32
        %dma_wait3A_130 = tpu.memref_slice %arg8[%mul3A_94, %dma_wait3A_129] : memref<80x128xi32, #tpu.memory_space<vmem>> -> memref<1x128xi32, #tpu.memory_space<vmem>>
        %dma_wait3A_131 = tpu.memref_squeeze %dma_wait3A_130 : memref<1x128xi32, #tpu.memory_space<vmem>> -> memref<128xi32, #tpu.memory_space<vmem>>
        %dma_wait3A_132 = arith.constant 0 : i32
        %dma_wait3A_133 = arith.constant 0 : i32
        %dma_wait3A_134 = tpu.memref_slice %arg11[%dma_wait3A_132, %dma_wait3A_133] : memref<10240x64xf32, #tpu.memory_space<vmem_shared>> -> memref<10240x64xf32, #tpu.memory_space<vmem_shared>>
        tpu.wait_indirect_dma semaphore(%run_scoped3A : memref<!tpu.dma_semaphore, #tpu.memory_space<semaphore_mem>>) src(%arg9 : memref<128x64xf32, #tpu.memory_space<vmem>>) dst(%dma_wait3A_134 : memref<10240x64xf32, #tpu.memory_space<vmem_shared>>)
        tpu.yield
      }) : () -> ()
      %add3A_108 = arith.constant 1 : i32
      %add3A_109 = arith.addi %mul3A_94, %add3A_108 : i32
      %dma_wait3A_110 = arith.constant 0 : i32
      %dma_wait3A_111 = tpu.memref_slice %arg7[%add3A_109, %dma_wait3A_110] : memref<80x128xi32, #tpu.memory_space<vmem>> -> memref<1x128xi32, #tpu.memory_space<vmem>>
      %dma_wait3A_112 = tpu.memref_squeeze %dma_wait3A_111 : memref<1x128xi32, #tpu.memory_space<vmem>> -> memref<128xi32, #tpu.memory_space<vmem>>
      %dma_wait3A_113 = arith.constant 0 : i32
      %dma_wait3A_114 = arith.constant 0 : i32
      %dma_wait3A_115 = tpu.memref_slice %arg12[%dma_wait3A_113, %dma_wait3A_114] : memref<10240x64xf32, #tpu.memory_space<vmem_shared>> -> memref<10240x64xf32, #tpu.memory_space<vmem_shared>>
      tpu.wait_indirect_dma semaphore(%arg14 : memref<!tpu.dma_semaphore, #tpu.memory_space<semaphore_mem>>) src(%dma_wait3A_115 : memref<10240x64xf32, #tpu.memory_space<vmem_shared>>) dst(%arg10 : memref<128x64xf32, #tpu.memory_space<vmem>>)
      %add3A_116 = arith.constant 2 : i32
      %add3A_117 = arith.addi %mul3A_94, %add3A_116 : i32
      %lt3A_118 = arith.constant 80 : i32
      %lt3A_119 = arith.cmpi slt, %add3A_117, %lt3A_118 : i32
      %convert_element_type3A = arith.extui %lt3A_119 : i1 to i32
      %cond3A = arith.constant 0 : i32
      %cond3A_120 = arith.cmpi ne, %convert_element_type3A, %cond3A : i32
      scf.if %cond3A_120 {
        %add3A_123 = arith.constant 2 : i32
        %add3A_124 = arith.addi %mul3A_94, %add3A_123 : i32
        %dma_start3A_125 = arith.constant 0 : i32
        %dma_start3A_126 = tpu.memref_slice %arg7[%add3A_124, %dma_start3A_125] : memref<80x128xi32, #tpu.memory_space<vmem>> -> memref<1x128xi32, #tpu.memory_space<vmem>>
        %dma_start3A_127 = tpu.memref_squeeze %dma_start3A_126 : memref<1x128xi32, #tpu.memory_space<vmem>> -> memref<128xi32, #tpu.memory_space<vmem>>
        %dma_start3A_128 = arith.constant 0 : i32
        %dma_start3A_129 = arith.constant 0 : i32
        %dma_start3A_130 = tpu.memref_slice %arg12[%dma_start3A_128, %dma_start3A_129] : memref<10240x64xf32, #tpu.memory_space<vmem_shared>> -> memref<10240x64xf32, #tpu.memory_space<vmem_shared>>
        tpu.enqueue_indirect_dma source(%dma_start3A_130 : memref<10240x64xf32, #tpu.memory_space<vmem_shared>>) target(%arg9 : memref<128x64xf32, #tpu.memory_space<vmem>>) offsets(%dma_start3A_127 : memref<128xi32, #tpu.memory_space<vmem>>) semaphore(%arg13 : memref<!tpu.dma_semaphore, #tpu.memory_space<semaphore_mem>>)
      } else {
      }
      %add3A_121 = arith.constant 1 : i32
      %add3A_122 = arith.addi %mul3A_94, %add3A_121 : i32
      "tpu.region"() ({
        %run_scoped3A = tpu.sem_alloc : memref<!tpu.dma_semaphore, #tpu.memory_space<semaphore_mem>>
        %dma_start3A_123 = arith.constant 0 : i32
        %dma_start3A_124 = tpu.memref_slice %arg8[%add3A_122, %dma_start3A_123] : memref<80x128xi32, #tpu.memory_space<vmem>> -> memref<1x128xi32, #tpu.memory_space<vmem>>
        %dma_start3A_125 = tpu.memref_squeeze %dma_start3A_124 : memref<1x128xi32, #tpu.memory_space<vmem>> -> memref<128xi32, #tpu.memory_space<vmem>>
        %dma_start3A_126 = arith.constant 0 : i32
        %dma_start3A_127 = arith.constant 0 : i32
        %dma_start3A_128 = tpu.memref_slice %arg11[%dma_start3A_126, %dma_start3A_127] : memref<10240x64xf32, #tpu.memory_space<vmem_shared>> -> memref<10240x64xf32, #tpu.memory_space<vmem_shared>>
        tpu.enqueue_indirect_dma source(%arg10 : memref<128x64xf32, #tpu.memory_space<vmem>>) target(%dma_start3A_128 : memref<10240x64xf32, #tpu.memory_space<vmem_shared>>) offsets(%dma_start3A_125 : memref<128xi32, #tpu.memory_space<vmem>>) semaphore(%run_scoped3A : memref<!tpu.dma_semaphore, #tpu.memory_space<semaphore_mem>>) {add = true}
        %dma_wait3A_129 = arith.constant 0 : i32
        %dma_wait3A_130 = tpu.memref_slice %arg8[%add3A_122, %dma_wait3A_129] : memref<80x128xi32, #tpu.memory_space<vmem>> -> memref<1x128xi32, #tpu.memory_space<vmem>>
        %dma_wait3A_131 = tpu.memref_squeeze %dma_wait3A_130 : memref<1x128xi32, #tpu.memory_space<vmem>> -> memref<128xi32, #tpu.memory_space<vmem>>
        %dma_wait3A_132 = arith.constant 0 : i32
        %dma_wait3A_133 = arith.constant 0 : i32
        %dma_wait3A_134 = tpu.memref_slice %arg11[%dma_wait3A_132, %dma_wait3A_133] : memref<10240x64xf32, #tpu.memory_space<vmem_shared>> -> memref<10240x64xf32, #tpu.memory_space<vmem_shared>>
        tpu.wait_indirect_dma semaphore(%run_scoped3A : memref<!tpu.dma_semaphore, #tpu.memory_space<semaphore_mem>>) src(%arg10 : memref<128x64xf32, #tpu.memory_space<vmem>>) dst(%dma_wait3A_134 : memref<10240x64xf32, #tpu.memory_space<vmem_shared>>)
        tpu.yield
      }) : () -> ()
    }
    %scan3A_86 = arith.constant 40 : i32
    %barrier3A_87 = arith.constant 0 : index
    tpu.barrier barrier_id(%barrier3A_87)
    "tpu.region"() ({
      %run_scoped3A = tpu.sem_alloc : memref<!tpu.dma_semaphore, #tpu.memory_space<semaphore_mem>>
      %dma_start3A_88 = arith.constant 0 : i32
      %dma_start3A_89 = tpu.memref_slice %arg6[%arg0, %mul3A_2, %dma_start3A_88] : memref<2x10240x128xf32, #tpu.memory_space<hbm>> -> memref<1x640x64xf32, #tpu.memory_space<hbm>>
      %dma_start3A_90 = tpu.memref_squeeze %dma_start3A_89 : memref<1x640x64xf32, #tpu.memory_space<hbm>> -> memref<640x64xf32, #tpu.memory_space<hbm>>
      %dma_start3A_91 = arith.constant 0 : i32
      %dma_start3A_92 = tpu.memref_slice %arg11[%mul3A_2, %dma_start3A_91] : memref<10240x64xf32, #tpu.memory_space<vmem_shared>> -> memref<640x64xf32, #tpu.memory_space<vmem_shared>>
      tpu.enqueue_dma source(%dma_start3A_92 : memref<640x64xf32, #tpu.memory_space<vmem_shared>>) target(%dma_start3A_90 : memref<640x64xf32, #tpu.memory_space<hbm>>) target_semaphore(%run_scoped3A : memref<!tpu.dma_semaphore, #tpu.memory_space<semaphore_mem>>)
      %dma_wait3A = arith.constant 0 : i32
      %dma_wait3A_93 = tpu.memref_slice %arg6[%arg0, %mul3A_2, %dma_wait3A] : memref<2x10240x128xf32, #tpu.memory_space<hbm>> -> memref<1x640x64xf32, #tpu.memory_space<hbm>>
      %dma_wait3A_94 = tpu.memref_squeeze %dma_wait3A_93 : memref<1x640x64xf32, #tpu.memory_space<hbm>> -> memref<640x64xf32, #tpu.memory_space<hbm>>
      %dma_wait3A_95 = arith.constant 0 : i32
      %dma_wait3A_96 = tpu.memref_slice %arg11[%mul3A_2, %dma_wait3A_95] : memref<10240x64xf32, #tpu.memory_space<vmem_shared>> -> memref<640x64xf32, #tpu.memory_space<vmem_shared>>
      tpu.wait_dma2 semaphore(%run_scoped3A : memref<!tpu.dma_semaphore, #tpu.memory_space<semaphore_mem>>) src(%dma_wait3A_96 : memref<640x64xf32, #tpu.memory_space<vmem_shared>>) dst(%dma_wait3A_94 : memref<640x64xf32, #tpu.memory_space<hbm>>)
      tpu.yield
    }) : () -> ()
    return
  }
}

module attributes {stable_mosaic.version = 14 : i64} {
  func.func @_t1a_body(%arg0: i32, %arg1: memref<2048x128xf32, #tpu.memory_space<vmem>>, %arg2: memref<128x64xf32, #tpu.memory_space<vmem>>, %arg3: memref<2048x64xf32, #tpu.memory_space<vmem>>) attributes {dimension_semantics = [#tpu.dimension_semantics<arbitrary>], iteration_bounds = array<i64: 5>, scalar_prefetch = 0 : i64, scratch_operands = 0 : i64, tpu.core_type = #tpu.core_type<tc>, window_params = [{transform_indices = @transform_0, window_bounds = array<i64: 2048, 128>}, {pipeline_mode = #tpu.pipeline_mode<synchronous>, transform_indices = @transform_1, window_bounds = array<i64: 128, 64>}, {transform_indices = @transform_2, window_bounds = array<i64: 2048, 64>}]} {
    %get3A = arith.constant 0 : index
    %get3A_0 = arith.constant 0 : index
    %get3A_1 = vector.load %arg1[%get3A, %get3A_0] : memref<2048x128xf32, #tpu.memory_space<vmem>>, vector<2048x128xf32>
    %get3A_2 = arith.constant 0 : index
    %get3A_3 = arith.constant 0 : index
    %get3A_4 = vector.load %arg2[%get3A_2, %get3A_3] : memref<128x64xf32, #tpu.memory_space<vmem>>, vector<128x64xf32>
    %dot_general3A = arith.constant dense<0.000000e+00> : vector<2048x64xf32>
    %dot_general3A_5 = tpu.matmul %get3A_1, %get3A_4, %dot_general3A {dimension_numbers = #tpu.dot_dimension_numbers<[1], [0], [0], [1], [0, 0, 1, 1], [], []>, transpose_lhs_hint = false} : vector<2048x128xf32>, vector<128x64xf32>, vector<2048x64xf32> -> vector<2048x64xf32>
    %swap3A = arith.constant 0 : index
    %swap3A_6 = arith.constant 0 : index
    %swap3A_7 = vector.load %arg3[%swap3A, %swap3A_6] : memref<2048x64xf32, #tpu.memory_space<vmem>>, vector<2048x64xf32>
    tpu.vector_store %arg3[%swap3A, %swap3A_6], %dot_general3A_5 {strides = array<i32>} : memref<2048x64xf32, #tpu.memory_space<vmem>>, vector<2048x64xf32>,
    return
  }
  func.func @transform_0(%arg0: i32) -> (i32, i32) {
    %c0_i32 = arith.constant 0 : i32
    %c0_i32_0 = arith.constant 0 : i32
    return %arg0, %c0_i32 : i32, i32
  }
  func.func @transform_1(%arg0: i32) -> (i32, i32) {
    %c0_i32 = arith.constant 0 : i32
    %c0_i32_0 = arith.constant 0 : i32
    %c0_i32_1 = arith.constant 0 : i32
    return %c0_i32, %c0_i32_0 : i32, i32
  }
  func.func @transform_2(%arg0: i32) -> (i32, i32) {
    %c0_i32 = arith.constant 0 : i32
    %c0_i32_0 = arith.constant 0 : i32
    return %arg0, %c0_i32 : i32, i32
  }
}

module attributes {stable_mosaic.version = 14 : i64} {
  func.func @_t1b_body(%arg0: i32, %arg1: memref<2048x64xf32, #tpu.memory_space<vmem>>, %arg2: memref<2x2048x128xf32, #tpu.memory_space<vmem>>, %arg3: memref<2048x64xf32, #tpu.memory_space<vmem>>, %arg4: memref<2048x16xf32, #tpu.memory_space<vmem>>) attributes {dimension_semantics = [#tpu.dimension_semantics<arbitrary>], iteration_bounds = array<i64: 5>, scalar_prefetch = 0 : i64, scratch_operands = 0 : i64, tpu.core_type = #tpu.core_type<tc>, window_params = [{transform_indices = @transform_0, window_bounds = array<i64: 2048, 64>}, {transform_indices = @transform_1, window_bounds = array<i64: 2, 2048, 128>}, {transform_indices = @transform_2, window_bounds = array<i64: 2048, 64>}, {transform_indices = @transform_3, window_bounds = array<i64: 2048, 16>}]} {
    %get3A = arith.constant 0 : index
    %get3A_0 = arith.constant 0 : index
    %get3A_1 = arith.constant 0 : index
    %get3A_2 = vector.load %arg2[%get3A, %get3A_0, %get3A_1] : memref<2x2048x128xf32, #tpu.memory_space<vmem>>, vector<1x2048x16xf32>
    %get3A_3 = vector.shape_cast %get3A_2 : vector<1x2048x16xf32> to vector<2048x16xf32>
    %get3A_4 = arith.constant 1 : index
    %get3A_5 = arith.constant 0 : index
    %get3A_6 = arith.constant 0 : index
    %get3A_7 = vector.load %arg2[%get3A_4, %get3A_5, %get3A_6] : memref<2x2048x128xf32, #tpu.memory_space<vmem>>, vector<1x2048x16xf32>
    %get3A_8 = vector.shape_cast %get3A_7 : vector<1x2048x16xf32> to vector<2048x16xf32>
    %add3A = arith.addf %get3A_3, %get3A_8 : vector<2048x16xf32>
    %add3A_9 = arith.constant 1.000000e+00 : f32
    %add3A_10 = vector.broadcast %add3A_9 : f32 to vector<2048x16xf32>
    %add3A_11 = arith.addf %add3A, %add3A_10 : vector<2048x16xf32>
    %rsqrt3A = math.rsqrt %add3A_11 : vector<2048x16xf32>
    %swap3A = arith.constant 0 : index
    %swap3A_12 = arith.constant 0 : index
    %swap3A_13 = vector.load %arg4[%swap3A, %swap3A_12] : memref<2048x16xf32, #tpu.memory_space<vmem>>, vector<2048x16xf32>
    tpu.vector_store %arg4[%swap3A, %swap3A_12], %rsqrt3A {strides = array<i32>} : memref<2048x16xf32, #tpu.memory_space<vmem>>, vector<2048x16xf32>,
    %get3A_14 = arith.constant 0 : index
    %get3A_15 = arith.constant 0 : index
    %get3A_16 = vector.load %arg1[%get3A_14, %get3A_15] : memref<2048x64xf32, #tpu.memory_space<vmem>>, vector<2048x64xf32>
    %slice3A = vector.extract_strided_slice %rsqrt3A {offsets = [0, 0], sizes = [2048, 1], strides = [1, 1]} : vector<2048x16xf32> to vector<2048x1xf32>
    %mul3A = vector.broadcast %slice3A : vector<2048x1xf32> to vector<2048x64xf32>
    %mul3A_17 = arith.mulf %get3A_16, %mul3A : vector<2048x64xf32>
    %swap3A_18 = arith.constant 0 : index
    %swap3A_19 = arith.constant 0 : index
    %swap3A_20 = vector.load %arg3[%swap3A_18, %swap3A_19] : memref<2048x64xf32, #tpu.memory_space<vmem>>, vector<2048x64xf32>
    tpu.vector_store %arg3[%swap3A_18, %swap3A_19], %mul3A_17 {strides = array<i32>} : memref<2048x64xf32, #tpu.memory_space<vmem>>, vector<2048x64xf32>,
    return
  }
  func.func @transform_0(%arg0: i32) -> (i32, i32) {
    %c0_i32 = arith.constant 0 : i32
    %c0_i32_0 = arith.constant 0 : i32
    return %arg0, %c0_i32 : i32, i32
  }
  func.func @transform_1(%arg0: i32) -> (i32, i32, i32) {
    %c0_i32 = arith.constant 0 : i32
    %c0_i32_0 = arith.constant 0 : i32
    %c0_i32_1 = arith.constant 0 : i32
    return %c0_i32, %arg0, %c0_i32_0 : i32, i32, i32
  }
  func.func @transform_2(%arg0: i32) -> (i32, i32) {
    %c0_i32 = arith.constant 0 : i32
    %c0_i32_0 = arith.constant 0 : i32
    return %arg0, %c0_i32 : i32, i32
  }
  func.func @transform_3(%arg0: i32) -> (i32, i32) {
    %c0_i32 = arith.constant 0 : i32
    %c0_i32_0 = arith.constant 0 : i32
    return %arg0, %c0_i32 : i32, i32
  }
}

module attributes {stable_mosaic.version = 14 : i64} {
  func.func @_t2_body(%arg0: i32, %arg1: memref<2x2048x128xf32, #tpu.memory_space<vmem>>, %arg2: memref<2048x64xf32, #tpu.memory_space<vmem>>, %arg3: memref<2048x16xf32, #tpu.memory_space<vmem>>, %arg4: memref<64x48xf32, #tpu.memory_space<vmem>>, %arg5: memref<1x64xf32, #tpu.memory_space<vmem>>, %arg6: memref<2048x48xf32, #tpu.memory_space<vmem>>) attributes {dimension_semantics = [#tpu.dimension_semantics<arbitrary>], iteration_bounds = array<i64: 5>, scalar_prefetch = 0 : i64, scratch_operands = 0 : i64, tpu.core_type = #tpu.core_type<tc>, window_params = [{transform_indices = @transform_0, window_bounds = array<i64: 2, 2048, 128>}, {transform_indices = @transform_1, window_bounds = array<i64: 2048, 64>}, {transform_indices = @transform_2, window_bounds = array<i64: 2048, 16>}, {pipeline_mode = #tpu.pipeline_mode<synchronous>, transform_indices = @transform_3, window_bounds = array<i64: 64, 48>}, {pipeline_mode = #tpu.pipeline_mode<synchronous>, transform_indices = @transform_4, window_bounds = array<i64: 1, 64>}, {transform_indices = @transform_5, window_bounds = array<i64: 2048, 48>}]} {
    %get3A = arith.constant 0 : index
    %get3A_0 = arith.constant 0 : index
    %get3A_1 = arith.constant 0 : index
    %get3A_2 = vector.load %arg1[%get3A, %get3A_0, %get3A_1] : memref<2x2048x128xf32, #tpu.memory_space<vmem>>, vector<1x2048x64xf32>
    %get3A_3 = vector.shape_cast %get3A_2 : vector<1x2048x64xf32> to vector<2048x64xf32>
    %get3A_4 = arith.constant 1 : index
    %get3A_5 = arith.constant 0 : index
    %get3A_6 = arith.constant 0 : index
    %get3A_7 = vector.load %arg1[%get3A_4, %get3A_5, %get3A_6] : memref<2x2048x128xf32, #tpu.memory_space<vmem>>, vector<1x2048x64xf32>
    %get3A_8 = vector.shape_cast %get3A_7 : vector<1x2048x64xf32> to vector<2048x64xf32>
    %add3A = arith.addf %get3A_3, %get3A_8 : vector<2048x64xf32>
    %get3A_9 = arith.constant 0 : index
    %get3A_10 = arith.constant 0 : index
    %get3A_11 = vector.load %arg2[%get3A_9, %get3A_10] : memref<2048x64xf32, #tpu.memory_space<vmem>>, vector<2048x64xf32>
    %add3A_12 = arith.addf %add3A, %get3A_11 : vector<2048x64xf32>
    %get3A_13 = arith.constant 0 : index
    %get3A_14 = arith.constant 0 : index
    %get3A_15 = vector.load %arg3[%get3A_13, %get3A_14] : memref<2048x16xf32, #tpu.memory_space<vmem>>, vector<2048x1xf32>
    %mul3A = vector.broadcast %get3A_15 : vector<2048x1xf32> to vector<2048x64xf32>
    %mul3A_16 = arith.mulf %mul3A, %add3A_12 : vector<2048x64xf32>
    %get3A_17 = arith.constant 0 : index
    %get3A_18 = arith.constant 0 : index
    %get3A_19 = vector.load %arg5[%get3A_17, %get3A_18] : memref<1x64xf32, #tpu.memory_space<vmem>>, vector<1x64xf32>
    %add3A_20 = vector.broadcast %get3A_19 : vector<1x64xf32> to vector<2048x64xf32>
    %add3A_21 = arith.addf %mul3A_16, %add3A_20 : vector<2048x64xf32>
    %max3A = arith.constant 0.000000e+00 : f32
    %max3A_22 = vector.broadcast %max3A : f32 to vector<2048x64xf32>
    %max3A_23 = arith.maximumf %add3A_21, %max3A_22 : vector<2048x64xf32>
    %get3A_24 = arith.constant 0 : index
    %get3A_25 = arith.constant 0 : index
    %get3A_26 = vector.load %arg4[%get3A_24, %get3A_25] : memref<64x48xf32, #tpu.memory_space<vmem>>, vector<64x48xf32>
    %dot_general3A = arith.constant dense<0.000000e+00> : vector<2048x48xf32>
    %dot_general3A_27 = tpu.matmul %max3A_23, %get3A_26, %dot_general3A {dimension_numbers = #tpu.dot_dimension_numbers<[1], [0], [0], [1], [0, 0, 1, 1], [], []>, transpose_lhs_hint = false} : vector<2048x64xf32>, vector<64x48xf32>, vector<2048x48xf32> -> vector<2048x48xf32>
    %mul3A_28 = vector.broadcast %get3A_15 : vector<2048x1xf32> to vector<2048x48xf32>
    %mul3A_29 = arith.mulf %dot_general3A_27, %mul3A_28 : vector<2048x48xf32>
    %swap3A = arith.constant 0 : index
    %swap3A_30 = arith.constant 0 : index
    %swap3A_31 = vector.load %arg6[%swap3A, %swap3A_30] : memref<2048x48xf32, #tpu.memory_space<vmem>>, vector<2048x48xf32>
    tpu.vector_store %arg6[%swap3A, %swap3A_30], %mul3A_29 {strides = array<i32>} : memref<2048x48xf32, #tpu.memory_space<vmem>>, vector<2048x48xf32>,
    return
  }
  func.func @transform_0(%arg0: i32) -> (i32, i32, i32) {
    %c0_i32 = arith.constant 0 : i32
    %c0_i32_0 = arith.constant 0 : i32
    %c0_i32_1 = arith.constant 0 : i32
    return %c0_i32, %arg0, %c0_i32_0 : i32, i32, i32
  }
  func.func @transform_1(%arg0: i32) -> (i32, i32) {
    %c0_i32 = arith.constant 0 : i32
    %c0_i32_0 = arith.constant 0 : i32
    return %arg0, %c0_i32 : i32, i32
  }
  func.func @transform_2(%arg0: i32) -> (i32, i32) {
    %c0_i32 = arith.constant 0 : i32
    %c0_i32_0 = arith.constant 0 : i32
    return %arg0, %c0_i32 : i32, i32
  }
  func.func @transform_3(%arg0: i32) -> (i32, i32) {
    %c0_i32 = arith.constant 0 : i32
    %c0_i32_0 = arith.constant 0 : i32
    %c0_i32_1 = arith.constant 0 : i32
    return %c0_i32, %c0_i32_0 : i32, i32
  }
  func.func @transform_4(%arg0: i32) -> (i32, i32) {
    %c0_i32 = arith.constant 0 : i32
    %c0_i32_0 = arith.constant 0 : i32
    %c0_i32_1 = arith.constant 0 : i32
    return %c0_i32, %c0_i32_0 : i32, i32
  }
  func.func @transform_5(%arg0: i32) -> (i32, i32) {
    %c0_i32 = arith.constant 0 : i32
    %c0_i32_0 = arith.constant 0 : i32
    return %arg0, %c0_i32 : i32, i32
  }
}

module attributes {stable_mosaic.version = 14 : i64} {
  func.func @_t3_body(%arg0: i32, %arg1: memref<2x2048x128xf32, #tpu.memory_space<vmem>>, %arg2: memref<2048x48xf32, #tpu.memory_space<vmem>>, %arg3: memref<2048x16xf32, #tpu.memory_space<vmem>>, %arg4: memref<1x48xf32, #tpu.memory_space<vmem>>, %arg5: memref<2048x40xf32, #tpu.memory_space<vmem>>) attributes {dimension_semantics = [#tpu.dimension_semantics<arbitrary>], iteration_bounds = array<i64: 5>, scalar_prefetch = 0 : i64, scratch_operands = 0 : i64, tpu.core_type = #tpu.core_type<tc>, window_params = [{transform_indices = @transform_0, window_bounds = array<i64: 2, 2048, 128>}, {transform_indices = @transform_1, window_bounds = array<i64: 2048, 48>}, {transform_indices = @transform_2, window_bounds = array<i64: 2048, 16>}, {pipeline_mode = #tpu.pipeline_mode<synchronous>, transform_indices = @transform_3, window_bounds = array<i64: 1, 48>}, {transform_indices = @transform_4, window_bounds = array<i64: 2048, 40>}]} {
    %get3A = arith.constant 0 : index
    %get3A_0 = arith.constant 0 : index
    %get3A_1 = arith.constant 0 : index
    %get3A_2 = vector.load %arg1[%get3A, %get3A_0, %get3A_1] : memref<2x2048x128xf32, #tpu.memory_space<vmem>>, vector<1x2048x48xf32>
    %get3A_3 = vector.shape_cast %get3A_2 : vector<1x2048x48xf32> to vector<2048x48xf32>
    %get3A_4 = arith.constant 1 : index
    %get3A_5 = arith.constant 0 : index
    %get3A_6 = arith.constant 0 : index
    %get3A_7 = vector.load %arg1[%get3A_4, %get3A_5, %get3A_6] : memref<2x2048x128xf32, #tpu.memory_space<vmem>>, vector<1x2048x48xf32>
    %get3A_8 = vector.shape_cast %get3A_7 : vector<1x2048x48xf32> to vector<2048x48xf32>
    %add3A = arith.addf %get3A_3, %get3A_8 : vector<2048x48xf32>
    %get3A_9 = arith.constant 0 : index
    %get3A_10 = arith.constant 0 : index
    %get3A_11 = vector.load %arg2[%get3A_9, %get3A_10] : memref<2048x48xf32, #tpu.memory_space<vmem>>, vector<2048x48xf32>
    %add3A_12 = arith.addf %add3A, %get3A_11 : vector<2048x48xf32>
    %get3A_13 = arith.constant 0 : index
    %get3A_14 = arith.constant 0 : index
    %get3A_15 = vector.load %arg3[%get3A_13, %get3A_14] : memref<2048x16xf32, #tpu.memory_space<vmem>>, vector<2048x1xf32>
    %mul3A = vector.broadcast %get3A_15 : vector<2048x1xf32> to vector<2048x48xf32>
    %mul3A_16 = arith.mulf %mul3A, %add3A_12 : vector<2048x48xf32>
    %get3A_17 = arith.constant 0 : index
    %get3A_18 = arith.constant 0 : index
    %get3A_19 = vector.load %arg4[%get3A_17, %get3A_18] : memref<1x48xf32, #tpu.memory_space<vmem>>, vector<1x48xf32>
    %add3A_20 = vector.broadcast %get3A_19 : vector<1x48xf32> to vector<2048x48xf32>
    %add3A_21 = arith.addf %mul3A_16, %add3A_20 : vector<2048x48xf32>
    %iota3A = tpu.iota {dimensions = array<i32: 1>} : vector<2048x48xi32>
    %lt3A = arith.constant 40 : i32
    %lt3A_22 = vector.broadcast %lt3A : i32 to vector<2048x48xi32>
    %lt3A_23 = arith.cmpi slt, %iota3A, %lt3A_22 : vector<2048x48xi32>
    %jit3A = arith.constant 0xFF800000 : f32
    %broadcast_in_dim3A = vector.broadcast %jit3A : f32 to vector<2048x48xf32>
    %select_n3A = arith.select %lt3A_23, %add3A_21, %broadcast_in_dim3A : vector<2048x48xi1>, vector<2048x48xf32>
    %reduce_max3A = arith.constant dense<0xFF800000> : vector<2048xf32>
    %reduce_max3A_24 = vector.multi_reduction <maximumf>, %select_n3A, %reduce_max3A [1] : vector<2048x48xf32> to vector<2048xf32>
    %broadcast_in_dim3A_25 = vector.shape_cast %reduce_max3A_24 : vector<2048xf32> to vector<2048x1xf32>
    %sub3A = vector.broadcast %broadcast_in_dim3A_25 : vector<2048x1xf32> to vector<2048x48xf32>
    %sub3A_26 = arith.subf %select_n3A, %sub3A : vector<2048x48xf32>
    %exp3A = math.exp %sub3A_26 : vector<2048x48xf32>
    %reduce_sum3A = arith.constant dense<0.000000e+00> : vector<2048xf32>
    %reduce_sum3A_27 = vector.multi_reduction <add>, %exp3A, %reduce_sum3A [1] : vector<2048x48xf32> to vector<2048xf32>
    %broadcast_in_dim3A_28 = vector.shape_cast %reduce_sum3A_27 : vector<2048xf32> to vector<2048x1xf32>
    %sub3A_29 = vector.broadcast %broadcast_in_dim3A_25 : vector<2048x1xf32> to vector<2048x48xf32>
    %sub3A_30 = arith.subf %select_n3A, %sub3A_29 : vector<2048x48xf32>
    %log3A = math.log %broadcast_in_dim3A_28 : vector<2048x1xf32>
    %sub3A_31 = vector.broadcast %log3A : vector<2048x1xf32> to vector<2048x48xf32>
    %sub3A_32 = arith.subf %sub3A_30, %sub3A_31 : vector<2048x48xf32>
    %slice3A = vector.extract_strided_slice %sub3A_32 {offsets = [0, 0], sizes = [2048, 40], strides = [1, 1]} : vector<2048x48xf32> to vector<2048x40xf32>
    %swap3A = arith.constant 0 : index
    %swap3A_33 = arith.constant 0 : index
    %swap3A_34 = vector.load %arg5[%swap3A, %swap3A_33] : memref<2048x40xf32, #tpu.memory_space<vmem>>, vector<2048x40xf32>
    tpu.vector_store %arg5[%swap3A, %swap3A_33], %slice3A {strides = array<i32>} : memref<2048x40xf32, #tpu.memory_space<vmem>>, vector<2048x40xf32>,
    return
  }
  func.func @transform_0(%arg0: i32) -> (i32, i32, i32) {
    %c0_i32 = arith.constant 0 : i32
    %c0_i32_0 = arith.constant 0 : i32
    %c0_i32_1 = arith.constant 0 : i32
    return %c0_i32, %arg0, %c0_i32_0 : i32, i32, i32
  }
  func.func @transform_1(%arg0: i32) -> (i32, i32) {
    %c0_i32 = arith.constant 0 : i32
    %c0_i32_0 = arith.constant 0 : i32
    return %arg0, %c0_i32 : i32, i32
  }
  func.func @transform_2(%arg0: i32) -> (i32, i32) {
    %c0_i32 = arith.constant 0 : i32
    %c0_i32_0 = arith.constant 0 : i32
    return %arg0, %c0_i32 : i32, i32
  }
  func.func @transform_3(%arg0: i32) -> (i32, i32) {
    %c0_i32 = arith.constant 0 : i32
    %c0_i32_0 = arith.constant 0 : i32
    %c0_i32_1 = arith.constant 0 : i32
    return %c0_i32, %c0_i32_0 : i32, i32
  }
  func.func @transform_4(%arg0: i32) -> (i32, i32) {
    %c0_i32 = arith.constant 0 : i32
    %c0_i32_0 = arith.constant 0 : i32
    return %arg0, %c0_i32 : i32, i32
  }
}

</mosaic_0001>

<sc_bundles>
// kernel: kernel.12.cloned.1.call-start
scs
__scs_entry_jumppad:
0x0: {  	(pc) =	sbr.rel $0x88, $3  }
0x1: {  	(tag) =	ssettag $0x0;
	lr =	simm.s32 $0x1  }
0x2: {  	[smem:$0x3F9B] =	sst lr;
	_ =	strace $0xD0000000  }
0x3: {  	_ = 	snop  }
0x4: {  	_ = 	snop  }
0x5: {  	_ = 	snop  }
0x6: {  	_ = 	snop  }
0x7: {  	_ = 	snop  }
__scs_overlays_trampoline_lowered:
0x8: {  	[smem:$0x3FAA] =	sst s0  }
0x9: {  	[smem:$0x3FAB] =	sst s1  }
0xa: {  	[smem:$0x3FAC] =	sst s2  }
0xb: {  	[smem:$0x3FAD] =	sst s3  }
0xc: {  	[smem:$0x3FAE] =	sst s4  }
0xd: {  	[smem:$0x3FAF] =	sst s5  }
0xe: {  	[smem:$0x3FB0] =	sst s6  }
0xf: {  	[smem:$0x3FB1] =	sst s7  }
0x10: {  	[smem:$0x3FB2] =	sst s8  }
0x11: {  	[smem:$0x3FB3] =	sst s9;
	s0 =	simm.s32 @!p0 $0x0  }
0x12: {  	s1 =	sld [smem:$0x3F99];
	s0 =	simm.s32 @p0 $0x1  }
0x13: {  	[smem:$0x3FB4] =	sst s0;
	s0 =	simm.s32 @!p1 $0x0  }
0x14: {  	s2 =	sld [smem:$0x3F98];
	s0 =	simm.s32 @p1 $0x1  }
0x15: {  	[smem:$0x3FB5] =	sst s0;
	s0 =	simm.s32 @!p2 $0x0  }
0x16: {  	s3 =	sld [smem:$0x3FDB];
	s0 =	simm.s32 @p2 $0x1  }
0x17: {  	s4 =	simm.s32 $0x1BF5;
	[smem:$0x3FB7] =	sst s0  }
0x18: {  	s0 =	sld [smem:$0x3F9A];
	_ =	swait.ge [sflag:s4], $0x0  }
0x19: {  	s7 =	sld [smem:$0x3F9B]  }
0x1a: {  	s8 =	sadd.s32 $0xFFFFE003, lr  }
0x1b: {  	s9 =	sadd.s32 $0xFFFFFEF7, lr;
	s5 =	simm.s32 $0xFFFFFFFF;
	p2 =	slt.u32 s8, $0xFFFFF086  }
0x1c: {  	p1 =	slt.u32 s9, $0xF7A;
	s5 =	simm.s32 @!p2 $0x0  }
0x1d: {  	s5 =	simm.s32 @p1 $0x1;
	p0 =	seq.s32 s7, s2  }
0x1e: {  	s7 =	smul.u32 @!p0 $0xF7A, s2;
	p2 =	seq.s32 @!p0 s5, $0x0  }
0x1f: {  	s9 =	smul.u32 $0xF7A, s1;
	s8 =	simm.s32 @!p0 $0x1BF5;
	p2 =	por !p2, p0  }
0x20: {  	[sflag:s8] =	ssyncset.s32 @!p0 $0xFFFFF086;
	s6 =	sadd.s32 @!p0 s3, s7;
	s7 =	simm.s32 @!p0 $0x108  }
0x21: {  	s3 =	sadd.s32 s3, s9;
	s6 =	sadd.s32 @!p0 $0x88, s6;
	s7 =	simm.s32 @p2 $0x1082  }
0x22: {  	[simem:s7], [sflag:s8] =	dma.local @!p0 [hbm:s6], $0xF7A  }
0x23: {  	s9 =	sor.u32 $0xD0000000, s2;
	s6 =	simm.s32 $0x108;
	_ =	swait.ge @!p0 [sflag:s8], $0x0  }
0x24: {  	s3 =	sadd.s32 $0x88, s3;
	s6 =	simm.s32 @!p1 $0x1082;
	[sflag:s4] =	ssyncset.s32 $0xFFFFF086  }
0x25: {  	[simem:s6], [sflag:s4] =	dma.local [hbm:s3], $0xF7A  }
0x26: {  	[smem:$0x3F9B] =	sst s1;
	(tag) =	ssettag s2;
	_ =	strace s9  }
0x27: {  	s1 =	sld [smem:$0x3FAB]  }
0x28: {  	s2 =	sld [smem:$0x3FAC]  }
0x29: {  	s4 =	sld [smem:$0x3FAE]  }
0x2a: {  	p0 =	seq.s32 s5, $0x0;
	s5 =	sld [smem:$0x3FAF]  }
0x2b: {  	s6 =	sld [smem:$0x3FB0]  }
0x2c: {  	s7 =	sld [smem:$0x3FB1]  }
0x2d: {  	s3 =	simm.s32 $0x108;
	s8 =	sld [smem:$0x3FB2]  }
0x2e: {  	s3 =	simm.s32 @!p0 $0x1082;
	s9 =	sld [smem:$0x3FB3]  }
0x2f: {  	lr =	sadd.s32 s0, s3;
	s0 =	sld [smem:$0x3FAA]  }
0x30: {  	s3 =	sld [smem:$0x3FAD]  }
0x31: {  	[smem:$0x3FB6] =	sst s10  }
0x32: {  	s10 =	sld [smem:$0x3FB4];
	_ =	sdelay $0x3  }
0x33: {  	p0 =	seq.s32 s10, $0x1;
	s10 =	sld [smem:$0x3FB6];
	_ =	sdelay $0x3  }
0x34: {  	[smem:$0x3FB6] =	sst s10  }
0x35: {  	s10 =	sld [smem:$0x3FB5];
	_ =	sdelay $0x3  }
0x36: {  	p1 =	seq.s32 s10, $0x1;
	s10 =	sld [smem:$0x3FB6];
	_ =	sdelay $0x3  }
0x37: {  	[smem:$0x3FB6] =	sst s10  }
0x38: {  	s10 =	sld [smem:$0x3FB7]  }
0x39: {  	_ = 	snop;
	(pc) =	sbr.ind lr, $3  }
0x3a: {  	_ = 	snop  }
0x3b: {  	_ = 	snop  }
0x3c: {  	p2 =	seq.s32 s10, $0x1;
	s10 =	sld [smem:$0x3FB6]  }
0x3d: {  	_ =	shalt  }
0x3e: {  	_ =	shalt  }
0x3f: {  	_ =	shalt  }
0x40: {  	_ =	shalt  }
0x41: {  	_ =	shalt  }
0x42: {  	_ =	shalt  }
0x43: {  	_ =	shalt  }
0x44: {  	_ =	shalt  }
0x45: {  	_ =	shalt  }
0x46: {  	_ =	shalt  }
0x47: {  	_ =	shalt  }
0x48: {  	_ =	shalt  }
0x49: {  	_ =	shalt  }
0x4a: {  	_ =	shalt  }
0x4b: {  	_ =	shalt  }
0x4c: {  	_ =	shalt  }
0x4d: {  	_ =	shalt  }
0x4e: {  	_ =	shalt  }
0x4f: {  	_ =	shalt  }
0x50: {  	_ =	shalt  }
0x51: {  	_ =	shalt  }
0x52: {  	_ =	shalt  }
0x53: {  	_ =	shalt  }
0x54: {  	_ =	shalt  }
0x55: {  	_ =	shalt  }
0x56: {  	_ =	shalt  }
0x57: {  	_ =	shalt  }
0x58: {  	_ =	shalt  }
0x59: {  	_ =	shalt  }
0x5a: {  	_ =	shalt  }
0x5b: {  	_ =	shalt  }
0x5c: {  	_ =	shalt  }
0x5d: {  	_ =	shalt  }
0x5e: {  	_ =	shalt  }
0x5f: {  	_ =	shalt  }
0x60: {  	_ =	shalt  }
0x61: {  	_ =	shalt  }
0x62: {  	_ =	shalt  }
0x63: {  	_ =	shalt  }
0x64: {  	_ =	shalt  }
0x65: {  	_ =	shalt  }
0x66: {  	_ =	shalt  }
0x67: {  	_ =	shalt  }
0x68: {  	_ =	shalt  }
0x69: {  	_ =	shalt  }
0x6a: {  	_ =	shalt  }
0x6b: {  	_ =	shalt  }
0x6c: {  	_ =	shalt  }
0x6d: {  	_ =	shalt  }
0x6e: {  	_ =	shalt  }
0x6f: {  	_ =	shalt  }
0x70: {  	_ =	shalt  }
0x71: {  	_ =	shalt  }
0x72: {  	_ =	shalt  }
0x73: {  	_ =	shalt  }
0x74: {  	_ =	shalt  }
0x75: {  	_ =	shalt  }
0x76: {  	_ =	shalt  }
0x77: {  	_ =	shalt  }
0x78: {  	_ =	shalt  }
0x79: {  	_ =	shalt  }
0x7a: {  	_ =	shalt  }
0x7b: {  	_ =	shalt  }
0x7c: {  	_ =	shalt  }
0x7d: {  	_ =	shalt  }
0x7e: {  	_ =	shalt  }
0x7f: {  	_ =	shalt  }
0x80: {  	_ =	shalt  }
0x81: {  	_ =	shalt  }
0x82: {  	_ =	shalt  }
0x83: {  	_ =	shalt  }
0x84: {  	_ =	shalt  }
0x85: {  	_ =	shalt  }
0x86: {  	_ =	shalt  }
0x87: {  	_ =	shalt  }
.Lfunc_end0:
.L_simem_size_0:
called_computation.1_lowered:
.L_overlay_start_0:
0x88: {  	s2 =	sld [smem:$0x3FD9]  }
0x89: {  	s3 =	sld [smem:$0x3FFE];
	_ =	sdelay $0x1  }
0x8a: {  	s1 =	srdreg.scid  }
0x8b: {  	s0 =	sand.u32 $0x1, s1  }
0x8c: {  	s17 =	sshll.u32 s0, $0xA;
	s2 =	sadd.s32 s3, s2  }
0x8d: {  	s2 =	sadd.s32 s2, s17  }
0x8e: {  	[smem:$0x3FC2] =	sst s2  }
0x8f: {  	_ = 	snop  }
0x90: {  	s2 =	sld [smem:$0x3FD0];
	(tm) =	ssettm $0x1  }
0x91: {  	s18 =	sld [smem:$0x3FFB];
	_ =	sdelay $0x3  }
0x92: {  	_ =	strace s18  }
0x93: {  	s3 =	sld [smem:$0x3FFC];
	_ =	sdelay $0x3  }
0x94: {  	_ =	strace s3  }
0x95: {  	s3 =	sld [smem:$0x3FFD];
	_ =	sdelay $0x3  }
0x96: {  	_ =	strace s3  }
0x97: {  	_ =	strace $0x8FFFFFFF  }
0x98: {  	s19 =	sld [smem:$0x3FDB];
	_ =	sdelay $0x1  }
0x99: {  	s4 =	simm.s32 $_scs_section_size  }
0x9a: {  	s5 =	simm.s32 $_size__tile_overlayer_lowered;
	s6 =	simm.s32 $_tile_overlayer_lowered  }
0x9b: {  	s22 =	simm.s32 $0x1BFF;
	s21 =	sshll.u32 s6, $0x1;
	s3 =	sadd.s32 s4, s19  }
0x9c: {  	s7 =	simm.s32 $0x0;
	s20 =	sshll.u32 s5, $0x1;
	s5 =	sadd.s32 s21, s3  }
0x9d: {  	[timem:s7], [sflag:s22] =	dma.local [hbm:s5], s20  }
0x9e: {  	_ =	swait.ge [sflag:s22], s20  }
0x9f: {  	s4 =	ssub.s32 $0x0, s20;
	[sflag:s22] =	ssyncset.done $0x0  }
0xa0: {  	[sflag:s22] =	ssyncadd.s32 s4;
	_ =	sdelay $0x1  }
0xa1: {  	s23 =	simm.s32 $0x1B8B  }
0xa2: {  	_ =	swait.ge [sflag:s23], $0x1  }
0xa3: {  	[sflag:s23] =	ssyncset.done $0x0  }
0xa4: {  	s25 =	simm.s32 $0x1B8E;
	s24 =	sld [smem:$0x3FFE];
	[sflag:s23] =	ssyncadd.s32 $0xFFFFFFFF  }
0xa5: {  	s26 =	simm.s32 $execute0_lowered;
	[smem:$0x3FD2] =	sst s25  }
0xa6: {  	s5 =	sshll.u32 s26, $0x1;
	_ =	strace $0x80000049;
	[dreg:$0x1] =	wrdreg $0xFFFFFFFF  }
0xa7: {  	s28 =	simm.s32 $_size_execute0_lowered;
	s3 =	sadd.s32 s3, s5;
	[dreg:$0x0] =	wrdreg $0x0  }
0xa8: {  	s5 =	sshll.u32 s28, $0x1;
	[dreg:$0x2] =	wrdreg s3  }
0xa9: {  	[dreg:$0x3] =	wrdreg s5  }
0xaa: {  	[dreg:$0x4] =	wrdreg $0xC0  }
0xab: {  	_ =	task [dreg:s7], $0x5FFFF  }
0xac: {  	[dreg:$0x1] =	wrdreg $0xFFFFFFFF  }
0xad: {  	[dreg:$0x0] =	wrdreg $0x60  }
0xae: {  	[dreg:$0x2] =	wrdreg s24  }
0xaf: {  	[dreg:$0x3] =	wrdreg s2  }
0xb0: {  	[dreg:$0x4] =	wrdreg $0x90000  }
0xb1: {  	[dreg:$0x5] =	wrdreg $0x130000  }
0xb2: {  	[dreg:$0x6] =	wrdreg $0x9  }
0xb3: {  	_ =	task.clear_ibuf [dreg:s7], $0x7FFFF;
	_ =	strace $0x90000049  }
0xb4: {  	s29 =	simm.s32 $0x9;
	_ =	strace $0x8000004B  }
0xb5: {  	_ =	swait.ge [sflag:s29], $0x1  }
0xb6: {  	[sflag:s29] =	ssyncadd.s32 $0xFFFFFFFF  }
0xb7: {  	_ =	strace $0x9000004B  }
0xb8: {  	_ =	sfence  }
0xb9: {  	s30 =	sld [smem:$0x0];
	_ =	sdelay $0x2  }
0xba: {  	s31 =	sshll.u32 s1, $0xD;
	s1 =	sshrl.u32 s1, $0x2  }
0xbb: {  	s3 =	sand.u32 $0x4000, s31;
	s1 =	sadd.s32 s1, s30  }
0xbc: {  	s0 =	sor.u32 s3, s0;
	s1 =	sshll.u32 s1, $0x11  }
0xbd: {  	s0 =	sor.u32 s1, s0  }
0xbe: {  	s0 =	sadd.s32 $0x8F2B, s0  }
0xbf: {  	[sflag:s0] =	ssyncadd.remote.s32 $0x1  }
0xc0: {  	_ =	sfence.sel $0xFFFF  }
0xc1: {  	[dreg:$0x0] =	wrdreg $0xFFFFFFFF;
	(pc) =	sbr.abs _section_cstart, $3  }
0xc2: {  	[dreg:$0x1] =	wrdreg $0xFFFFFFFF  }
0xc3: {  	_ =	task.clear_ibuf [dreg:s7], $0x2FFFF;
	_ =	strace $0x9FFFFFFF  }
0xc4: {  	(tm) =	ssettm $0x7FFFFFFF  }
0xc5: {  	_ =	shalt  }
tec
execute0_lowered:
.L_overlay_start_1:
0x0: {  	(tag) =	ssettag $0x1  }
0x1: {  	s8 =	rddreg [dreg:$0x0]  }
0x2: {  	s0 =	srdreg.scid;
	s9 =	rddreg [dreg:$0x1];
	s5 =	simm.s32 $0x1  }
0x3: {  	s3 =	rddreg [dreg:$0x3];
	s4 =	simm.s32 $0x0;
	s18 =	simm.s32 $0x5000  }
0x4: {  	s19 =	simm.s32 $0x7000;
	s20 =	simm.s32 $0x2;
	s21 =	simm.s32 $0x2780  }
0x5: {  	s22 =	simm.s32 $0x4F00;
	s23 =	simm.s32 $0x4F80;
	s24 =	simm.s32 $0x10  }
0x6: {  	s25 =	simm.s32 $0x8;
	s7 =	sand.u32 $0x1, s0;
	s0 =	stileid.u32  }
0x7: {  	s26 =	simm.s32 $0x0;
	[smem:$0x7FF] =	sst s4;
	s10 =	smul.u32 $0xA000, s0  }
0x8: {  	s1 =	sshll.u32 s7, $0x4;
	s2 =	sand.u32 $0x1, s0;
	s11 =	smul.u32 $0x140000, s7  }
0x9: {  	s13 =	smul.u32 $0x14000, s0;
	s29 =	ssub.s32 $0x2, s7;
	s7 =	sadd.s32 $0x1F800, s8  }
0xa: {  	s31 =	sshll.u32 s0, $0x6;
	s1 =	sor.u32 s0, s1;
	p0 =	seq.s32 s2, $0x1  }
0xb: {  	s2 =	rddreg [dreg:$0x2];
	s16 =	sshrl.u32 s29, $0x1;
	p1 =	seq.s32 s1, $0x0  }
0xc: {  	s6 =	sshrl.u32 s1, $0x1;
	s1 =	rddreg [dreg:$0x4];
	_ =	strace $0x8000004A  }
0xd: {  	s15 =	sshrl.u32 s10, $0x3;
	s11 =	sadd.s32 s13, s11;
	p1 =	por !p1, !p0  }
0xe: {  	s13 =	ssub.s32 s29, s16;
	s30 =	sadd.s32 s10, s2;
	p1 =	por !p1, !p1  }
0xf: {  	s17 =	sadd.s32 s10, s3;
	s15 =	sadd.s32 s15, s8;
	s5 =	simm.s32 @!p1 $0x0  }
0x10: {  	s11 =	sshrl.u32 s11, $0x3;
	s16 =	sshrl.u32 s17, $0x3;
	s5 =	ssub.s32 s6, s5  }
0x11: {  	s17 =	simm.s32 $0x80;
	s6 =	simm.s32 $0x2800;
	s5 =	smul.u32 $0x5000, s5  }
0x12: {  	s11 =	sadd.s32 s11, s8;
	s10 =	sadd.s32 $0xB800, s15;
	s6 =	simm.s32 @!p0 $0x0  }
0x13: {  	s15 =	sshrl.u32 s30, $0x3;
	s11 =	sadd.s32 $0x20C00, s11;
	s6 =	sadd.s32 s6, s5  }
0x14: {  	s5 =	simm.s32 $0x1;
	s12 =	sshrl.u32 s6, $0x3;
	s6 =	simm.s32 $0x2800  }
0x15: {  	s14 =	sadd.s32 s12, s8;
	s9 =	sadd.s32 s9, s12;
	s12 =	smax.u32 s13, $0x1  }
0x16: {  	s13 =	simm.s32 $0x3;
	s8 =	sadd.s32 $0x1800, s14;
	s14 =	sor.u32 $0x1C03, s31  }
.LBB2_1:
0x17: {  	[tilespmem:s4], [sflag:$0x3] =	stream.linear.gather [hbm4b:s8+s4], $0x2800, $0x38;
	[tilespmem:$0x1D000] =	vst v63  }
0x18: {  	_ =	swait.ge [sflag:s13], $0x2800  }
0x19: {  	[sflag:s13] =	ssyncset.done $0x0  }
0x1a: {  	[sflag:s13] =	ssyncadd.s32 $0xFFFFD800  }
0x1b: {  	[tilespmem:s6], [sflag:$0x3] =	stream.linear.gather [hbm4b:s9+s4], $0x2800, $0x38;
	[tilespmem:$0x1D000] =	vst v63  }
0x1c: {  	_ =	swait.ge [sflag:s13], $0x2800  }
0x1d: {  	[sflag:s13] =	ssyncset.done $0x0  }
0x1e: {  	[sflag:s13] =	ssyncadd.s32 $0xFFFFD800  }
0x1f: {  	[spmem:s15], [sflag:s14] =	dma.local [hbm:s7], $0x1400  }
0x20: {  	_ =	swait.ge [sflag:s13], $0x1400  }
0x21: {  	[sflag:s13] =	ssyncset.done $0x0  }
0x22: {  	[sflag:s13] =	ssyncadd.s32 $0xFFFFEC00  }
0x23: {  	[spmem:s16], [sflag:s14] =	dma.local [hbm:s10], $0x1400  }
0x24: {  	_ =	swait.ge [sflag:s13], $0x1400  }
0x25: {  	[sflag:s13] =	ssyncset.done $0x0  }
0x26: {  	[sflag:s13] =	ssyncadd.s32 $0xFFFFEC00  }
0x27: {  	[bflag:$0x0] =	sbarrier.arrive $0xFFFF  }
0x28: {  	[tilespmem:s18], [sflag:$0x1] =	stream.indirect.gather [spmem:s3], $0x40, s4, s17, $0xb8;
	[tilespmem:$0x1D000] =	vst v63  }
0x29: {  	_ =	swait.ge [sflag:s5], $0x2000  }
0x2a: {  	[sflag:s5] =	ssyncset.done $0x0  }
0x2b: {  	s28 =	simm.s32 $0x80;
	[sflag:s5] =	ssyncadd.s32 $0xFFFFE000  }
0x2c: {  	[tilespmem:s19], [sflag:$0x2] =	stream.indirect.gather [spmem:s3], $0x40, s28, s17, $0xb8;
	[tilespmem:$0x1D000] =	vst v63  }
0x2d: {  	s28 =	simm.s32 $0x2800  }
0x2e: {  	[spmem:s2] =	stream.indirect.scatter.add.f32 [tilespmem:s18], [sflag:$0x3], $0x40, s28, s17, $0xb8;
	[tilespmem:$0x1D000] =	vst v63  }
0x2f: {  	_ =	swait.ge [sflag:s13], $0x2000  }
0x30: {  	[sflag:s13] =	ssyncset.done $0x0  }
0x31: {  	[sflag:s13] =	ssyncadd.s32 $0xFFFFE000  }
0x32: {  	_ =	swait.ge [sflag:s20], $0x2000  }
0x33: {  	[sflag:s20] =	ssyncset.done $0x0  }
0x34: {  	s28 =	simm.s32 $0x100;
	[sflag:s20] =	ssyncadd.s32 $0xFFFFE000  }
0x35: {  	[tilespmem:s18], [sflag:$0x1] =	stream.indirect.gather [spmem:s3], $0x40, s28, s17, $0xb8;
	[tilespmem:$0x1D000] =	vst v63  }
0x36: {  	s28 =	simm.s32 $0x2880  }
0x37: {  	[spmem:s2] =	stream.indirect.scatter.add.f32 [tilespmem:s19], [sflag:$0x3], $0x40, s28, s17, $0xb8;
	[tilespmem:$0x1D000] =	vst v63  }
0x38: {  	_ =	swait.ge [sflag:s13], $0x2000  }
0x39: {  	s28 =	simm.s32 $0x400;
	[sflag:s13] =	ssyncset.done $0x0  }
.LBB2_2:
0x3a: {  	p0 =	sne.s32 s28, $0x9800  }
0x3b: {  	[sflag:s13] =	ssyncadd.s32 $0xFFFFE000;
	s29 =	smov.u32 s28;
	s28 =	sadd.s32 $0x400, s28  }
0x3c: {  	_ = 	snop  }
0x3d: {  	_ =	swait.ge [sflag:s5], $0x2000  }
0x3e: {  	s29 =	sshra.s32 s29, $0x2;
	[sflag:s5] =	ssyncset.done $0x0  }
0x3f: {  	s30 =	sadd.s32 $0x80, s29;
	[sflag:s5] =	ssyncadd.s32 $0xFFFFE000  }
0x40: {  	[tilespmem:s19], [sflag:$0x2] =	stream.indirect.gather [spmem:s3], $0x40, s30, s17, $0xb8;
	[tilespmem:$0x1D000] =	vst v63  }
0x41: {  	s30 =	sadd.s32 $0x2800, s29  }
0x42: {  	[spmem:s2] =	stream.indirect.scatter.add.f32 [tilespmem:s18], [sflag:$0x3], $0x40, s30, s17, $0xb8;
	[tilespmem:$0x1D000] =	vst v63  }
0x43: {  	_ =	swait.ge [sflag:s13], $0x2000  }
0x44: {  	[sflag:s13] =	ssyncset.done $0x0  }
0x45: {  	[sflag:s13] =	ssyncadd.s32 $0xFFFFE000  }
0x46: {  	_ =	swait.ge [sflag:s20], $0x2000  }
0x47: {  	[sflag:s20] =	ssyncset.done $0x0  }
0x48: {  	s30 =	sadd.s32 $0x100, s29;
	[sflag:s20] =	ssyncadd.s32 $0xFFFFE000  }
0x49: {  	[tilespmem:s18], [sflag:$0x1] =	stream.indirect.gather [spmem:s3], $0x40, s30, s17, $0xb8;
	[tilespmem:$0x1D000] =	vst v63  }
.Ltmp0:
0x4a: {  	_ = 	snop;
	(pc) =	sbr.rel @p0 .LBB2_2-.Ltmp0, $4  }
0x4b: {  	s29 =	sadd.s32 $0x2880, s29  }
0x4c: {  	[spmem:s2] =	stream.indirect.scatter.add.f32 [tilespmem:s19], [sflag:$0x3], $0x40, s29, s17, $0xb8;
	[tilespmem:$0x1D000] =	vst v63  }
0x4d: {  	_ =	swait.ge [sflag:s13], $0x2000  }
0x4e: {  	[sflag:s13] =	ssyncset.done $0x0  }
0x4f: {  	[sflag:s13] =	ssyncadd.s32 $0xFFFFE000  }
0x50: {  	_ =	swait.ge [sflag:s5], $0x2000  }
0x51: {  	[sflag:s5] =	ssyncset.done $0x0  }
0x52: {  	[sflag:s5] =	ssyncadd.s32 $0xFFFFE000  }
0x53: {  	[tilespmem:s19], [sflag:$0x2] =	stream.indirect.gather [spmem:s3], $0x40, s21, s17, $0xb8;
	[tilespmem:$0x1D000] =	vst v63  }
0x54: {  	_ = 	snop  }
0x55: {  	[spmem:s2] =	stream.indirect.scatter.add.f32 [tilespmem:s18], [sflag:$0x3], $0x40, s22, s17, $0xb8;
	[tilespmem:$0x1D000] =	vst v63  }
0x56: {  	_ =	swait.ge [sflag:s13], $0x2000  }
0x57: {  	[sflag:s13] =	ssyncset.done $0x0  }
0x58: {  	[sflag:s13] =	ssyncadd.s32 $0xFFFFE000  }
0x59: {  	_ =	swait.ge [sflag:s20], $0x2000  }
0x5a: {  	[sflag:s20] =	ssyncset.done $0x0  }
0x5b: {  	[sflag:s20] =	ssyncadd.s32 $0xFFFFE000  }
0x5c: {  	[spmem:s2] =	stream.indirect.scatter.add.f32 [tilespmem:s19], [sflag:$0x3], $0x40, s23, s17, $0xb8;
	[tilespmem:$0x1D000] =	vst v63  }
0x5d: {  	_ =	swait.ge [sflag:s13], $0x2000  }
0x5e: {  	s26 =	sadd.s32 $0x1, s26;
	[sflag:s13] =	ssyncset.done $0x0  }
0x5f: {  	p0 =	sne.s32 s26, s12;
	[sflag:s13] =	ssyncadd.s32 $0xFFFFE000  }
.Ltmp1:
0x60: {  	[bflag:$0x0] =	sbarrier.arrive $0xFFFF;
	(pc) =	sbr.rel @p0 .LBB2_1-.Ltmp1, $4  }
0x61: {  	[hbm:s11@s24], [sflag:s14] =	dma.strided [spmem:s15@s25], $0x1400, s5, $0x8   }
0x62: {  	_ =	swait.ge [sflag:s13], $0x1400  }
0x63: {  	[sflag:s13] =	ssyncset.done $0x0  }
0x64: {  	[sflag:s13] =	ssyncadd.s32 $0xFFFFEC00  }
0x65: {  	_ =	sfence.sel $0x180000  }
0x66: {  	[bflag:$0x0] =	sbarrier.arrive $0xFFFF  }
0x67: {  	p0 =	sne.s32 s0, $0x0;
	_ =	strace $0x9000004A  }
0x68: {  	s0 =	sadd.s32 @!p0 $0x100000, s1;
	[bflag:$0x2] =	sbarrier.arrive $0xFFFF  }
0x69: {  	[sflag:s0] =	ssyncadd.tile.s32 @!p0 $0x1;
	_ =	shalt  }
.Lfunc_end2:
_tile_overlayer_lowered:
.L_overlay_start_2:
0x6a: {  	(tag) =	ssettag $0x2  }
0x6b: {  	s0 =	rddreg [dreg:$0x0];
	s2 =	stileid.u32  }
0x6c: {  	s1 =	rddreg [dreg:$0x1];
	p0 =	sne.s32 s2, $0x0  }
0x6d: {  	s3 =	rddreg [dreg:$0x2];
	[bflag:$0x3] =	sbarrier.arrive $0xFFFF;
	s2 =	simm.s32 @!p0 $0x1C03  }
0x6e: {  	[timem:s3], [sflag:s2] =	dma.local @!p0 [hbm:s0], s1  }
0x6f: {  	s0 =	simm.s32 @!p0 $0x3  }
0x70: {  	_ =	swait.ge @!p0 [sflag:s0], s1  }
0x71: {  	s1 =	ssub.s32 @!p0 $0x0, s1;
	[sflag:s0] =	ssyncset.done @!p0 $0x0  }
0x72: {  	[sflag:s0] =	ssyncadd.s32 @!p0 s1  }
0x73: {  	[bflag:$0x3] =	sbarrier.arrive $0xFFFF  }
0x74: {  	_ =	shalt  }

// kernel: kernel.15.cloned.1.call-start
scs
__scs_entry_jumppad:
0x0: {  	(pc) =	sbr.rel $0x88, $3  }
0x1: {  	(tag) =	ssettag $0x0;
	lr =	simm.s32 $0x1  }
0x2: {  	[smem:$0x3F9B] =	sst lr;
	_ =	strace $0xD0000000  }
0x3: {  	_ = 	snop  }
0x4: {  	_ = 	snop  }
0x5: {  	_ = 	snop  }
0x6: {  	_ = 	snop  }
0x7: {  	_ = 	snop  }
__scs_overlays_trampoline_lowered:
0x8: {  	[smem:$0x3FAA] =	sst s0  }
0x9: {  	[smem:$0x3FAB] =	sst s1  }
0xa: {  	[smem:$0x3FAC] =	sst s2  }
0xb: {  	[smem:$0x3FAD] =	sst s3  }
0xc: {  	[smem:$0x3FAE] =	sst s4  }
0xd: {  	[smem:$0x3FAF] =	sst s5  }
0xe: {  	[smem:$0x3FB0] =	sst s6  }
0xf: {  	[smem:$0x3FB1] =	sst s7  }
0x10: {  	[smem:$0x3FB2] =	sst s8  }
0x11: {  	[smem:$0x3FB3] =	sst s9;
	s0 =	simm.s32 @!p0 $0x0  }
0x12: {  	s1 =	sld [smem:$0x3F99];
	s0 =	simm.s32 @p0 $0x1  }
0x13: {  	[smem:$0x3FB4] =	sst s0;
	s0 =	simm.s32 @!p1 $0x0  }
0x14: {  	s2 =	sld [smem:$0x3F98];
	s0 =	simm.s32 @p1 $0x1  }
0x15: {  	[smem:$0x3FB5] =	sst s0;
	s0 =	simm.s32 @!p2 $0x0  }
0x16: {  	s3 =	sld [smem:$0x3FDB];
	s0 =	simm.s32 @p2 $0x1  }
0x17: {  	s4 =	simm.s32 $0x1BF5;
	[smem:$0x3FB7] =	sst s0  }
0x18: {  	s0 =	sld [smem:$0x3F9A];
	_ =	swait.ge [sflag:s4], $0x0  }
0x19: {  	s7 =	sld [smem:$0x3F9B]  }
0x1a: {  	s8 =	sadd.s32 $0xFFFFE003, lr  }
0x1b: {  	s9 =	sadd.s32 $0xFFFFFEF7, lr;
	s5 =	simm.s32 $0xFFFFFFFF;
	p2 =	slt.u32 s8, $0xFFFFF086  }
0x1c: {  	p1 =	slt.u32 s9, $0xF7A;
	s5 =	simm.s32 @!p2 $0x0  }
0x1d: {  	s5 =	simm.s32 @p1 $0x1;
	p0 =	seq.s32 s7, s2  }
0x1e: {  	s7 =	smul.u32 @!p0 $0xF7A, s2;
	p2 =	seq.s32 @!p0 s5, $0x0  }
0x1f: {  	s9 =	smul.u32 $0xF7A, s1;
	s8 =	simm.s32 @!p0 $0x1BF5;
	p2 =	por !p2, p0  }
0x20: {  	[sflag:s8] =	ssyncset.s32 @!p0 $0xFFFFF086;
	s6 =	sadd.s32 @!p0 s3, s7;
	s7 =	simm.s32 @!p0 $0x108  }
0x21: {  	s3 =	sadd.s32 s3, s9;
	s6 =	sadd.s32 @!p0 $0x88, s6;
	s7 =	simm.s32 @p2 $0x1082  }
0x22: {  	[simem:s7], [sflag:s8] =	dma.local @!p0 [hbm:s6], $0xF7A  }
0x23: {  	s9 =	sor.u32 $0xD0000000, s2;
	s6 =	simm.s32 $0x108;
	_ =	swait.ge @!p0 [sflag:s8], $0x0  }
0x24: {  	s3 =	sadd.s32 $0x88, s3;
	s6 =	simm.s32 @!p1 $0x1082;
	[sflag:s4] =	ssyncset.s32 $0xFFFFF086  }
0x25: {  	[simem:s6], [sflag:s4] =	dma.local [hbm:s3], $0xF7A  }
0x26: {  	[smem:$0x3F9B] =	sst s1;
	(tag) =	ssettag s2;
	_ =	strace s9  }
0x27: {  	s1 =	sld [smem:$0x3FAB]  }
0x28: {  	s2 =	sld [smem:$0x3FAC]  }
0x29: {  	s4 =	sld [smem:$0x3FAE]  }
0x2a: {  	p0 =	seq.s32 s5, $0x0;
	s5 =	sld [smem:$0x3FAF]  }
0x2b: {  	s6 =	sld [smem:$0x3FB0]  }
0x2c: {  	s7 =	sld [smem:$0x3FB1]  }
0x2d: {  	s3 =	simm.s32 $0x108;
	s8 =	sld [smem:$0x3FB2]  }
0x2e: {  	s3 =	simm.s32 @!p0 $0x1082;
	s9 =	sld [smem:$0x3FB3]  }
0x2f: {  	lr =	sadd.s32 s0, s3;
	s0 =	sld [smem:$0x3FAA]  }
0x30: {  	s3 =	sld [smem:$0x3FAD]  }
0x31: {  	[smem:$0x3FB6] =	sst s10  }
0x32: {  	s10 =	sld [smem:$0x3FB4];
	_ =	sdelay $0x3  }
0x33: {  	p0 =	seq.s32 s10, $0x1;
	s10 =	sld [smem:$0x3FB6];
	_ =	sdelay $0x3  }
0x34: {  	[smem:$0x3FB6] =	sst s10  }
0x35: {  	s10 =	sld [smem:$0x3FB5];
	_ =	sdelay $0x3  }
0x36: {  	p1 =	seq.s32 s10, $0x1;
	s10 =	sld [smem:$0x3FB6];
	_ =	sdelay $0x3  }
0x37: {  	[smem:$0x3FB6] =	sst s10  }
0x38: {  	s10 =	sld [smem:$0x3FB7]  }
0x39: {  	_ = 	snop;
	(pc) =	sbr.ind lr, $3  }
0x3a: {  	_ = 	snop  }
0x3b: {  	_ = 	snop  }
0x3c: {  	p2 =	seq.s32 s10, $0x1;
	s10 =	sld [smem:$0x3FB6]  }
0x3d: {  	_ =	shalt  }
0x3e: {  	_ =	shalt  }
0x3f: {  	_ =	shalt  }
0x40: {  	_ =	shalt  }
0x41: {  	_ =	shalt  }
0x42: {  	_ =	shalt  }
0x43: {  	_ =	shalt  }
0x44: {  	_ =	shalt  }
0x45: {  	_ =	shalt  }
0x46: {  	_ =	shalt  }
0x47: {  	_ =	shalt  }
0x48: {  	_ =	shalt  }
0x49: {  	_ =	shalt  }
0x4a: {  	_ =	shalt  }
0x4b: {  	_ =	shalt  }
0x4c: {  	_ =	shalt  }
0x4d: {  	_ =	shalt  }
0x4e: {  	_ =	shalt  }
0x4f: {  	_ =	shalt  }
0x50: {  	_ =	shalt  }
0x51: {  	_ =	shalt  }
0x52: {  	_ =	shalt  }
0x53: {  	_ =	shalt  }
0x54: {  	_ =	shalt  }
0x55: {  	_ =	shalt  }
0x56: {  	_ =	shalt  }
0x57: {  	_ =	shalt  }
0x58: {  	_ =	shalt  }
0x59: {  	_ =	shalt  }
0x5a: {  	_ =	shalt  }
0x5b: {  	_ =	shalt  }
0x5c: {  	_ =	shalt  }
0x5d: {  	_ =	shalt  }
0x5e: {  	_ =	shalt  }
0x5f: {  	_ =	shalt  }
0x60: {  	_ =	shalt  }
0x61: {  	_ =	shalt  }
0x62: {  	_ =	shalt  }
0x63: {  	_ =	shalt  }
0x64: {  	_ =	shalt  }
0x65: {  	_ =	shalt  }
0x66: {  	_ =	shalt  }
0x67: {  	_ =	shalt  }
0x68: {  	_ =	shalt  }
0x69: {  	_ =	shalt  }
0x6a: {  	_ =	shalt  }
0x6b: {  	_ =	shalt  }
0x6c: {  	_ =	shalt  }
0x6d: {  	_ =	shalt  }
0x6e: {  	_ =	shalt  }
0x6f: {  	_ =	shalt  }
0x70: {  	_ =	shalt  }
0x71: {  	_ =	shalt  }
0x72: {  	_ =	shalt  }
0x73: {  	_ =	shalt  }
0x74: {  	_ =	shalt  }
0x75: {  	_ =	shalt  }
0x76: {  	_ =	shalt  }
0x77: {  	_ =	shalt  }
0x78: {  	_ =	shalt  }
0x79: {  	_ =	shalt  }
0x7a: {  	_ =	shalt  }
0x7b: {  	_ =	shalt  }
0x7c: {  	_ =	shalt  }
0x7d: {  	_ =	shalt  }
0x7e: {  	_ =	shalt  }
0x7f: {  	_ =	shalt  }
0x80: {  	_ =	shalt  }
0x81: {  	_ =	shalt  }
0x82: {  	_ =	shalt  }
0x83: {  	_ =	shalt  }
0x84: {  	_ =	shalt  }
0x85: {  	_ =	shalt  }
0x86: {  	_ =	shalt  }
0x87: {  	_ =	shalt  }
.Lfunc_end0:
.L_simem_size_0:
called_computation.2_lowered:
.L_overlay_start_0:
0x88: {  	s2 =	sld [smem:$0x3FD9]  }
0x89: {  	s3 =	sld [smem:$0x3FFE];
	_ =	sdelay $0x1  }
0x8a: {  	s1 =	srdreg.scid  }
0x8b: {  	s0 =	sand.u32 $0x1, s1  }
0x8c: {  	s17 =	sshll.u32 s0, $0xA;
	s2 =	sadd.s32 s3, s2  }
0x8d: {  	s2 =	sadd.s32 s2, s17  }
0x8e: {  	[smem:$0x3FC2] =	sst s2  }
0x8f: {  	_ = 	snop  }
0x90: {  	s2 =	sld [smem:$0x3FD0];
	(tm) =	ssettm $0x1  }
0x91: {  	s18 =	sld [smem:$0x3FFB];
	_ =	sdelay $0x3  }
0x92: {  	_ =	strace s18  }
0x93: {  	s3 =	sld [smem:$0x3FFC];
	_ =	sdelay $0x3  }
0x94: {  	_ =	strace s3  }
0x95: {  	s3 =	sld [smem:$0x3FFD];
	_ =	sdelay $0x3  }
0x96: {  	_ =	strace s3  }
0x97: {  	_ =	strace $0x8FFFFFFF  }
0x98: {  	s19 =	sld [smem:$0x3FDB];
	_ =	sdelay $0x1  }
0x99: {  	s4 =	simm.s32 $_scs_section_size  }
0x9a: {  	s5 =	simm.s32 $_size__tile_overlayer_lowered;
	s6 =	simm.s32 $_tile_overlayer_lowered  }
0x9b: {  	s22 =	simm.s32 $0x1BFF;
	s21 =	sshll.u32 s6, $0x1;
	s3 =	sadd.s32 s4, s19  }
0x9c: {  	s7 =	simm.s32 $0x0;
	s20 =	sshll.u32 s5, $0x1;
	s5 =	sadd.s32 s21, s3  }
0x9d: {  	[timem:s7], [sflag:s22] =	dma.local [hbm:s5], s20  }
0x9e: {  	_ =	swait.ge [sflag:s22], s20  }
0x9f: {  	s4 =	ssub.s32 $0x0, s20;
	[sflag:s22] =	ssyncset.done $0x0  }
0xa0: {  	[sflag:s22] =	ssyncadd.s32 s4;
	_ =	sdelay $0x1  }
0xa1: {  	s23 =	simm.s32 $0x1B8B  }
0xa2: {  	_ =	swait.ge [sflag:s23], $0x1  }
0xa3: {  	[sflag:s23] =	ssyncset.done $0x0  }
0xa4: {  	s25 =	simm.s32 $0x1B8E;
	s24 =	sld [smem:$0x3FFE];
	[sflag:s23] =	ssyncadd.s32 $0xFFFFFFFF  }
0xa5: {  	s26 =	simm.s32 $execute0_lowered;
	[smem:$0x3FD2] =	sst s25  }
0xa6: {  	s5 =	sshll.u32 s26, $0x1;
	_ =	strace $0x8000004C;
	[dreg:$0x1] =	wrdreg $0xFFFFFFFF  }
0xa7: {  	s28 =	simm.s32 $_size_execute0_lowered;
	s3 =	sadd.s32 s3, s5;
	[dreg:$0x0] =	wrdreg $0x0  }
0xa8: {  	s5 =	sshll.u32 s28, $0x1;
	[dreg:$0x2] =	wrdreg s3  }
0xa9: {  	[dreg:$0x3] =	wrdreg s5  }
0xaa: {  	[dreg:$0x4] =	wrdreg $0xC0  }
0xab: {  	_ =	task [dreg:s7], $0x5FFFF  }
0xac: {  	[dreg:$0x1] =	wrdreg $0xFFFFFFFF  }
0xad: {  	[dreg:$0x0] =	wrdreg $0x60  }
0xae: {  	[dreg:$0x2] =	wrdreg s24  }
0xaf: {  	[dreg:$0x3] =	wrdreg s2  }
0xb0: {  	[dreg:$0x4] =	wrdreg $0x80000  }
0xb1: {  	[dreg:$0x5] =	wrdreg $0xF8000  }
0xb2: {  	[dreg:$0x6] =	wrdreg $0x9  }
0xb3: {  	_ =	task.clear_ibuf [dreg:s7], $0x7FFFF;
	_ =	strace $0x9000004C  }
0xb4: {  	s29 =	simm.s32 $0x9;
	_ =	strace $0x8000004E  }
0xb5: {  	_ =	swait.ge [sflag:s29], $0x1  }
0xb6: {  	[sflag:s29] =	ssyncadd.s32 $0xFFFFFFFF  }
0xb7: {  	_ =	strace $0x9000004E  }
0xb8: {  	_ =	sfence  }
0xb9: {  	s30 =	sld [smem:$0x0];
	_ =	sdelay $0x2  }
0xba: {  	s31 =	sshll.u32 s1, $0xD;
	s1 =	sshrl.u32 s1, $0x2  }
0xbb: {  	s3 =	sand.u32 $0x4000, s31;
	s1 =	sadd.s32 s1, s30  }
0xbc: {  	s0 =	sor.u32 s3, s0;
	s1 =	sshll.u32 s1, $0x11  }
0xbd: {  	s0 =	sor.u32 s1, s0  }
0xbe: {  	s0 =	sadd.s32 $0x8F2B, s0  }
0xbf: {  	[sflag:s0] =	ssyncadd.remote.s32 $0x1  }
0xc0: {  	_ =	sfence.sel $0xFFFF  }
0xc1: {  	[dreg:$0x0] =	wrdreg $0xFFFFFFFF;
	(pc) =	sbr.abs _section_cstart, $3  }
0xc2: {  	[dreg:$0x1] =	wrdreg $0xFFFFFFFF  }
0xc3: {  	_ =	task.clear_ibuf [dreg:s7], $0x2FFFF;
	_ =	strace $0x9FFFFFFF  }
0xc4: {  	(tm) =	ssettm $0x7FFFFFFF  }
0xc5: {  	_ =	shalt  }
tec
execute0_lowered:
.L_overlay_start_1:
0x0: {  	(tag) =	ssettag $0x1  }
0x1: {  	s8 =	rddreg [dreg:$0x0]  }
0x2: {  	s0 =	srdreg.scid;
	s9 =	rddreg [dreg:$0x1];
	s5 =	simm.s32 $0x1  }
0x3: {  	s3 =	rddreg [dreg:$0x3];
	s4 =	simm.s32 $0x0;
	s18 =	simm.s32 $0x5000  }
0x4: {  	s19 =	simm.s32 $0x6800;
	s20 =	simm.s32 $0x2;
	s21 =	simm.s32 $0x2780  }
0x5: {  	s22 =	simm.s32 $0x4F00;
	s23 =	simm.s32 $0x4F80;
	s24 =	simm.s32 $0x10  }
0x6: {  	s25 =	simm.s32 $0x6;
	s7 =	sand.u32 $0x1, s0;
	s0 =	stileid.u32  }
0x7: {  	s26 =	simm.s32 $0x0;
	[smem:$0x7FF] =	sst s4;
	s10 =	smul.u32 $0x7800, s0  }
0x8: {  	s1 =	sshll.u32 s7, $0x4;
	s2 =	sand.u32 $0x1, s0;
	s11 =	smul.u32 $0x140000, s7  }
0x9: {  	s13 =	smul.u32 $0x14000, s0;
	s29 =	ssub.s32 $0x2, s7;
	s7 =	sadd.s32 $0x1A800, s8  }
0xa: {  	s31 =	sshll.u32 s0, $0x6;
	s1 =	sor.u32 s0, s1;
	p0 =	seq.s32 s2, $0x1  }
0xb: {  	s2 =	rddreg [dreg:$0x2];
	s16 =	sshrl.u32 s29, $0x1;
	p1 =	seq.s32 s1, $0x0  }
0xc: {  	s6 =	sshrl.u32 s1, $0x1;
	s1 =	rddreg [dreg:$0x4];
	_ =	strace $0x8000004D  }
0xd: {  	s15 =	sshrl.u32 s10, $0x3;
	s11 =	sadd.s32 s13, s11;
	p1 =	por !p1, !p0  }
0xe: {  	s13 =	ssub.s32 s29, s16;
	s30 =	sadd.s32 s10, s2;
	p1 =	por !p1, !p1  }
0xf: {  	s17 =	sadd.s32 s10, s3;
	s15 =	sadd.s32 s15, s8;
	s5 =	simm.s32 @!p1 $0x0  }
0x10: {  	s11 =	sshrl.u32 s11, $0x3;
	s16 =	sshrl.u32 s17, $0x3;
	s5 =	ssub.s32 s6, s5  }
0x11: {  	s17 =	simm.s32 $0x80;
	s6 =	simm.s32 $0x2800;
	s5 =	smul.u32 $0x5000, s5  }
0x12: {  	s11 =	sadd.s32 s11, s8;
	s10 =	sadd.s32 $0xB800, s15;
	s6 =	simm.s32 @!p0 $0x0  }
0x13: {  	s15 =	sshrl.u32 s30, $0x3;
	s11 =	sadd.s32 $0x1B800, s11;
	s6 =	sadd.s32 s6, s5  }
0x14: {  	s5 =	simm.s32 $0x1;
	s12 =	sshrl.u32 s6, $0x3;
	s6 =	simm.s32 $0x2800  }
0x15: {  	s14 =	sadd.s32 s12, s8;
	s9 =	sadd.s32 s9, s12;
	s12 =	smax.u32 s13, $0x1  }
0x16: {  	s13 =	simm.s32 $0x3;
	s8 =	sadd.s32 $0x1800, s14;
	s14 =	sor.u32 $0x1C03, s31  }
.LBB2_1:
0x17: {  	[tilespmem:s4], [sflag:$0x3] =	stream.linear.gather [hbm4b:s8+s4], $0x2800, $0x38;
	[tilespmem:$0x17000] =	vst v63  }
0x18: {  	_ =	swait.ge [sflag:s13], $0x2800  }
0x19: {  	[sflag:s13] =	ssyncset.done $0x0  }
0x1a: {  	[sflag:s13] =	ssyncadd.s32 $0xFFFFD800  }
0x1b: {  	[tilespmem:s6], [sflag:$0x3] =	stream.linear.gather [hbm4b:s9+s4], $0x2800, $0x38;
	[tilespmem:$0x17000] =	vst v63  }
0x1c: {  	_ =	swait.ge [sflag:s13], $0x2800  }
0x1d: {  	[sflag:s13] =	ssyncset.done $0x0  }
0x1e: {  	[sflag:s13] =	ssyncadd.s32 $0xFFFFD800  }
0x1f: {  	[spmem:s15], [sflag:s14] =	dma.local [hbm:s7], $0xF00  }
0x20: {  	_ =	swait.ge [sflag:s13], $0xF00  }
0x21: {  	[sflag:s13] =	ssyncset.done $0x0  }
0x22: {  	[sflag:s13] =	ssyncadd.s32 $0xFFFFF100  }
0x23: {  	[spmem:s16], [sflag:s14] =	dma.local [hbm:s10], $0xF00  }
0x24: {  	_ =	swait.ge [sflag:s13], $0xF00  }
0x25: {  	[sflag:s13] =	ssyncset.done $0x0  }
0x26: {  	[sflag:s13] =	ssyncadd.s32 $0xFFFFF100  }
0x27: {  	[bflag:$0x0] =	sbarrier.arrive $0xFFFF  }
0x28: {  	[tilespmem:s18], [sflag:$0x1] =	stream.indirect.gather [spmem:s3], $0x30, s4, s17, $0xb8;
	[tilespmem:$0x17000] =	vst v63  }
0x29: {  	_ =	swait.ge [sflag:s5], $0x1800  }
0x2a: {  	[sflag:s5] =	ssyncset.done $0x0  }
0x2b: {  	s28 =	simm.s32 $0x80;
	[sflag:s5] =	ssyncadd.s32 $0xFFFFE800  }
0x2c: {  	[tilespmem:s19], [sflag:$0x2] =	stream.indirect.gather [spmem:s3], $0x30, s28, s17, $0xb8;
	[tilespmem:$0x17000] =	vst v63  }
0x2d: {  	s28 =	simm.s32 $0x2800  }
0x2e: {  	[spmem:s2] =	stream.indirect.scatter.add.f32 [tilespmem:s18], [sflag:$0x3], $0x30, s28, s17, $0xb8;
	[tilespmem:$0x17000] =	vst v63  }
0x2f: {  	_ =	swait.ge [sflag:s13], $0x1800  }
0x30: {  	[sflag:s13] =	ssyncset.done $0x0  }
0x31: {  	[sflag:s13] =	ssyncadd.s32 $0xFFFFE800  }
0x32: {  	_ =	swait.ge [sflag:s20], $0x1800  }
0x33: {  	[sflag:s20] =	ssyncset.done $0x0  }
0x34: {  	s28 =	simm.s32 $0x100;
	[sflag:s20] =	ssyncadd.s32 $0xFFFFE800  }
0x35: {  	[tilespmem:s18], [sflag:$0x1] =	stream.indirect.gather [spmem:s3], $0x30, s28, s17, $0xb8;
	[tilespmem:$0x17000] =	vst v63  }
0x36: {  	s28 =	simm.s32 $0x2880  }
0x37: {  	[spmem:s2] =	stream.indirect.scatter.add.f32 [tilespmem:s19], [sflag:$0x3], $0x30, s28, s17, $0xb8;
	[tilespmem:$0x17000] =	vst v63  }
0x38: {  	_ =	swait.ge [sflag:s13], $0x1800  }
0x39: {  	s28 =	simm.s32 $0x400;
	[sflag:s13] =	ssyncset.done $0x0  }
.LBB2_2:
0x3a: {  	p0 =	sne.s32 s28, $0x9800  }
0x3b: {  	[sflag:s13] =	ssyncadd.s32 $0xFFFFE800;
	s29 =	smov.u32 s28;
	s28 =	sadd.s32 $0x400, s28  }
0x3c: {  	_ = 	snop  }
0x3d: {  	_ =	swait.ge [sflag:s5], $0x1800  }
0x3e: {  	s29 =	sshra.s32 s29, $0x2;
	[sflag:s5] =	ssyncset.done $0x0  }
0x3f: {  	s30 =	sadd.s32 $0x80, s29;
	[sflag:s5] =	ssyncadd.s32 $0xFFFFE800  }
0x40: {  	[tilespmem:s19], [sflag:$0x2] =	stream.indirect.gather [spmem:s3], $0x30, s30, s17, $0xb8;
	[tilespmem:$0x17000] =	vst v63  }
0x41: {  	s30 =	sadd.s32 $0x2800, s29  }
0x42: {  	[spmem:s2] =	stream.indirect.scatter.add.f32 [tilespmem:s18], [sflag:$0x3], $0x30, s30, s17, $0xb8;
	[tilespmem:$0x17000] =	vst v63  }
0x43: {  	_ =	swait.ge [sflag:s13], $0x1800  }
0x44: {  	[sflag:s13] =	ssyncset.done $0x0  }
0x45: {  	[sflag:s13] =	ssyncadd.s32 $0xFFFFE800  }
0x46: {  	_ =	swait.ge [sflag:s20], $0x1800  }
0x47: {  	[sflag:s20] =	ssyncset.done $0x0  }
0x48: {  	s30 =	sadd.s32 $0x100, s29;
	[sflag:s20] =	ssyncadd.s32 $0xFFFFE800  }
0x49: {  	[tilespmem:s18], [sflag:$0x1] =	stream.indirect.gather [spmem:s3], $0x30, s30, s17, $0xb8;
	[tilespmem:$0x17000] =	vst v63  }
.Ltmp0:
0x4a: {  	_ = 	snop;
	(pc) =	sbr.rel @p0 .LBB2_2-.Ltmp0, $4  }
0x4b: {  	s29 =	sadd.s32 $0x2880, s29  }
0x4c: {  	[spmem:s2] =	stream.indirect.scatter.add.f32 [tilespmem:s19], [sflag:$0x3], $0x30, s29, s17, $0xb8;
	[tilespmem:$0x17000] =	vst v63  }
0x4d: {  	_ =	swait.ge [sflag:s13], $0x1800  }
0x4e: {  	[sflag:s13] =	ssyncset.done $0x0  }
0x4f: {  	[sflag:s13] =	ssyncadd.s32 $0xFFFFE800  }
0x50: {  	_ =	swait.ge [sflag:s5], $0x1800  }
0x51: {  	[sflag:s5] =	ssyncset.done $0x0  }
0x52: {  	[sflag:s5] =	ssyncadd.s32 $0xFFFFE800  }
0x53: {  	[tilespmem:s19], [sflag:$0x2] =	stream.indirect.gather [spmem:s3], $0x30, s21, s17, $0xb8;
	[tilespmem:$0x17000] =	vst v63  }
0x54: {  	_ = 	snop  }
0x55: {  	[spmem:s2] =	stream.indirect.scatter.add.f32 [tilespmem:s18], [sflag:$0x3], $0x30, s22, s17, $0xb8;
	[tilespmem:$0x17000] =	vst v63  }
0x56: {  	_ =	swait.ge [sflag:s13], $0x1800  }
0x57: {  	[sflag:s13] =	ssyncset.done $0x0  }
0x58: {  	[sflag:s13] =	ssyncadd.s32 $0xFFFFE800  }
0x59: {  	_ =	swait.ge [sflag:s20], $0x1800  }
0x5a: {  	[sflag:s20] =	ssyncset.done $0x0  }
0x5b: {  	[sflag:s20] =	ssyncadd.s32 $0xFFFFE800  }
0x5c: {  	[spmem:s2] =	stream.indirect.scatter.add.f32 [tilespmem:s19], [sflag:$0x3], $0x30, s23, s17, $0xb8;
	[tilespmem:$0x17000] =	vst v63  }
0x5d: {  	_ =	swait.ge [sflag:s13], $0x1800  }
0x5e: {  	s26 =	sadd.s32 $0x1, s26;
	[sflag:s13] =	ssyncset.done $0x0  }
0x5f: {  	p0 =	sne.s32 s26, s12;
	[sflag:s13] =	ssyncadd.s32 $0xFFFFE800  }
.Ltmp1:
0x60: {  	[bflag:$0x0] =	sbarrier.arrive $0xFFFF;
	(pc) =	sbr.rel @p0 .LBB2_1-.Ltmp1, $4  }
0x61: {  	[hbm:s11@s24], [sflag:s14] =	dma.strided [spmem:s15@s25], $0xF00, s5, $0x6   }
0x62: {  	_ =	swait.ge [sflag:s13], $0xF00  }
0x63: {  	[sflag:s13] =	ssyncset.done $0x0  }
0x64: {  	[sflag:s13] =	ssyncadd.s32 $0xFFFFF100  }
0x65: {  	_ =	sfence.sel $0x180000  }
0x66: {  	[bflag:$0x0] =	sbarrier.arrive $0xFFFF  }
0x67: {  	p0 =	sne.s32 s0, $0x0;
	_ =	strace $0x9000004D  }
0x68: {  	s0 =	sadd.s32 @!p0 $0x100000, s1;
	[bflag:$0x2] =	sbarrier.arrive $0xFFFF  }
0x69: {  	[sflag:s0] =	ssyncadd.tile.s32 @!p0 $0x1;
	_ =	shalt  }
.Lfunc_end2:
_tile_overlayer_lowered:
.L_overlay_start_2:
0x6a: {  	(tag) =	ssettag $0x2  }
0x6b: {  	s0 =	rddreg [dreg:$0x0];
	s2 =	stileid.u32  }
0x6c: {  	s1 =	rddreg [dreg:$0x1];
	p0 =	sne.s32 s2, $0x0  }
0x6d: {  	s3 =	rddreg [dreg:$0x2];
	[bflag:$0x3] =	sbarrier.arrive $0xFFFF;
	s2 =	simm.s32 @!p0 $0x1C03  }
0x6e: {  	[timem:s3], [sflag:s2] =	dma.local @!p0 [hbm:s0], s1  }
0x6f: {  	s0 =	simm.s32 @!p0 $0x3  }
0x70: {  	_ =	swait.ge @!p0 [sflag:s0], s1  }
0x71: {  	s1 =	ssub.s32 @!p0 $0x0, s1;
	[sflag:s0] =	ssyncset.done @!p0 $0x0  }
0x72: {  	[sflag:s0] =	ssyncadd.s32 @!p0 s1  }
0x73: {  	[bflag:$0x3] =	sbarrier.arrive $0xFFFF  }
0x74: {  	_ =	shalt  }

// kernel: kernel.9.cloned.1.call-start
scs
__scs_entry_jumppad:
0x0: {  	(pc) =	sbr.rel $0x88, $3  }
0x1: {  	(tag) =	ssettag $0x0;
	lr =	simm.s32 $0x1  }
0x2: {  	[smem:$0x3F9B] =	sst lr;
	_ =	strace $0xD0000000  }
0x3: {  	_ = 	snop  }
0x4: {  	_ = 	snop  }
0x5: {  	_ = 	snop  }
0x6: {  	_ = 	snop  }
0x7: {  	_ = 	snop  }
__scs_overlays_trampoline_lowered:
0x8: {  	[smem:$0x3FAA] =	sst s0  }
0x9: {  	[smem:$0x3FAB] =	sst s1  }
0xa: {  	[smem:$0x3FAC] =	sst s2  }
0xb: {  	[smem:$0x3FAD] =	sst s3  }
0xc: {  	[smem:$0x3FAE] =	sst s4  }
0xd: {  	[smem:$0x3FAF] =	sst s5  }
0xe: {  	[smem:$0x3FB0] =	sst s6  }
0xf: {  	[smem:$0x3FB1] =	sst s7  }
0x10: {  	[smem:$0x3FB2] =	sst s8  }
0x11: {  	[smem:$0x3FB3] =	sst s9;
	s0 =	simm.s32 @!p0 $0x0  }
0x12: {  	s1 =	sld [smem:$0x3F99];
	s0 =	simm.s32 @p0 $0x1  }
0x13: {  	[smem:$0x3FB4] =	sst s0;
	s0 =	simm.s32 @!p1 $0x0  }
0x14: {  	s2 =	sld [smem:$0x3F98];
	s0 =	simm.s32 @p1 $0x1  }
0x15: {  	[smem:$0x3FB5] =	sst s0;
	s0 =	simm.s32 @!p2 $0x0  }
0x16: {  	s3 =	sld [smem:$0x3FDB];
	s0 =	simm.s32 @p2 $0x1  }
0x17: {  	s4 =	simm.s32 $0x1BF5;
	[smem:$0x3FB7] =	sst s0  }
0x18: {  	s0 =	sld [smem:$0x3F9A];
	_ =	swait.ge [sflag:s4], $0x0  }
0x19: {  	s7 =	sld [smem:$0x3F9B]  }
0x1a: {  	s8 =	sadd.s32 $0xFFFFE003, lr  }
0x1b: {  	s9 =	sadd.s32 $0xFFFFFEF7, lr;
	s5 =	simm.s32 $0xFFFFFFFF;
	p2 =	slt.u32 s8, $0xFFFFF086  }
0x1c: {  	p1 =	slt.u32 s9, $0xF7A;
	s5 =	simm.s32 @!p2 $0x0  }
0x1d: {  	s5 =	simm.s32 @p1 $0x1;
	p0 =	seq.s32 s7, s2  }
0x1e: {  	s7 =	smul.u32 @!p0 $0xF7A, s2;
	p2 =	seq.s32 @!p0 s5, $0x0  }
0x1f: {  	s9 =	smul.u32 $0xF7A, s1;
	s8 =	simm.s32 @!p0 $0x1BF5;
	p2 =	por !p2, p0  }
0x20: {  	[sflag:s8] =	ssyncset.s32 @!p0 $0xFFFFF086;
	s6 =	sadd.s32 @!p0 s3, s7;
	s7 =	simm.s32 @!p0 $0x108  }
0x21: {  	s3 =	sadd.s32 s3, s9;
	s6 =	sadd.s32 @!p0 $0x88, s6;
	s7 =	simm.s32 @p2 $0x1082  }
0x22: {  	[simem:s7], [sflag:s8] =	dma.local @!p0 [hbm:s6], $0xF7A  }
0x23: {  	s9 =	sor.u32 $0xD0000000, s2;
	s6 =	simm.s32 $0x108;
	_ =	swait.ge @!p0 [sflag:s8], $0x0  }
0x24: {  	s3 =	sadd.s32 $0x88, s3;
	s6 =	simm.s32 @!p1 $0x1082;
	[sflag:s4] =	ssyncset.s32 $0xFFFFF086  }
0x25: {  	[simem:s6], [sflag:s4] =	dma.local [hbm:s3], $0xF7A  }
0x26: {  	[smem:$0x3F9B] =	sst s1;
	(tag) =	ssettag s2;
	_ =	strace s9  }
0x27: {  	s1 =	sld [smem:$0x3FAB]  }
0x28: {  	s2 =	sld [smem:$0x3FAC]  }
0x29: {  	s4 =	sld [smem:$0x3FAE]  }
0x2a: {  	p0 =	seq.s32 s5, $0x0;
	s5 =	sld [smem:$0x3FAF]  }
0x2b: {  	s6 =	sld [smem:$0x3FB0]  }
0x2c: {  	s7 =	sld [smem:$0x3FB1]  }
0x2d: {  	s3 =	simm.s32 $0x108;
	s8 =	sld [smem:$0x3FB2]  }
0x2e: {  	s3 =	simm.s32 @!p0 $0x1082;
	s9 =	sld [smem:$0x3FB3]  }
0x2f: {  	lr =	sadd.s32 s0, s3;
	s0 =	sld [smem:$0x3FAA]  }
0x30: {  	s3 =	sld [smem:$0x3FAD]  }
0x31: {  	[smem:$0x3FB6] =	sst s10  }
0x32: {  	s10 =	sld [smem:$0x3FB4];
	_ =	sdelay $0x3  }
0x33: {  	p0 =	seq.s32 s10, $0x1;
	s10 =	sld [smem:$0x3FB6];
	_ =	sdelay $0x3  }
0x34: {  	[smem:$0x3FB6] =	sst s10  }
0x35: {  	s10 =	sld [smem:$0x3FB5];
	_ =	sdelay $0x3  }
0x36: {  	p1 =	seq.s32 s10, $0x1;
	s10 =	sld [smem:$0x3FB6];
	_ =	sdelay $0x3  }
0x37: {  	[smem:$0x3FB6] =	sst s10  }
0x38: {  	s10 =	sld [smem:$0x3FB7]  }
0x39: {  	_ = 	snop;
	(pc) =	sbr.ind lr, $3  }
0x3a: {  	_ = 	snop  }
0x3b: {  	_ = 	snop  }
0x3c: {  	p2 =	seq.s32 s10, $0x1;
	s10 =	sld [smem:$0x3FB6]  }
0x3d: {  	_ =	shalt  }
0x3e: {  	_ =	shalt  }
0x3f: {  	_ =	shalt  }
0x40: {  	_ =	shalt  }
0x41: {  	_ =	shalt  }
0x42: {  	_ =	shalt  }
0x43: {  	_ =	shalt  }
0x44: {  	_ =	shalt  }
0x45: {  	_ =	shalt  }
0x46: {  	_ =	shalt  }
0x47: {  	_ =	shalt  }
0x48: {  	_ =	shalt  }
0x49: {  	_ =	shalt  }
0x4a: {  	_ =	shalt  }
0x4b: {  	_ =	shalt  }
0x4c: {  	_ =	shalt  }
0x4d: {  	_ =	shalt  }
0x4e: {  	_ =	shalt  }
0x4f: {  	_ =	shalt  }
0x50: {  	_ =	shalt  }
0x51: {  	_ =	shalt  }
0x52: {  	_ =	shalt  }
0x53: {  	_ =	shalt  }
0x54: {  	_ =	shalt  }
0x55: {  	_ =	shalt  }
0x56: {  	_ =	shalt  }
0x57: {  	_ =	shalt  }
0x58: {  	_ =	shalt  }
0x59: {  	_ =	shalt  }
0x5a: {  	_ =	shalt  }
0x5b: {  	_ =	shalt  }
0x5c: {  	_ =	shalt  }
0x5d: {  	_ =	shalt  }
0x5e: {  	_ =	shalt  }
0x5f: {  	_ =	shalt  }
0x60: {  	_ =	shalt  }
0x61: {  	_ =	shalt  }
0x62: {  	_ =	shalt  }
0x63: {  	_ =	shalt  }
0x64: {  	_ =	shalt  }
0x65: {  	_ =	shalt  }
0x66: {  	_ =	shalt  }
0x67: {  	_ =	shalt  }
0x68: {  	_ =	shalt  }
0x69: {  	_ =	shalt  }
0x6a: {  	_ =	shalt  }
0x6b: {  	_ =	shalt  }
0x6c: {  	_ =	shalt  }
0x6d: {  	_ =	shalt  }
0x6e: {  	_ =	shalt  }
0x6f: {  	_ =	shalt  }
0x70: {  	_ =	shalt  }
0x71: {  	_ =	shalt  }
0x72: {  	_ =	shalt  }
0x73: {  	_ =	shalt  }
0x74: {  	_ =	shalt  }
0x75: {  	_ =	shalt  }
0x76: {  	_ =	shalt  }
0x77: {  	_ =	shalt  }
0x78: {  	_ =	shalt  }
0x79: {  	_ =	shalt  }
0x7a: {  	_ =	shalt  }
0x7b: {  	_ =	shalt  }
0x7c: {  	_ =	shalt  }
0x7d: {  	_ =	shalt  }
0x7e: {  	_ =	shalt  }
0x7f: {  	_ =	shalt  }
0x80: {  	_ =	shalt  }
0x81: {  	_ =	shalt  }
0x82: {  	_ =	shalt  }
0x83: {  	_ =	shalt  }
0x84: {  	_ =	shalt  }
0x85: {  	_ =	shalt  }
0x86: {  	_ =	shalt  }
0x87: {  	_ =	shalt  }
.Lfunc_end0:
.L_simem_size_0:
called_computation_lowered:
.L_overlay_start_0:
0x88: {  	s2 =	sld [smem:$0x3FD9]  }
0x89: {  	s3 =	sld [smem:$0x3FFE];
	_ =	sdelay $0x1  }
0x8a: {  	s1 =	srdreg.scid  }
0x8b: {  	s0 =	sand.u32 $0x1, s1  }
0x8c: {  	s17 =	sshll.u32 s0, $0xA;
	s2 =	sadd.s32 s3, s2  }
0x8d: {  	s2 =	sadd.s32 s2, s17  }
0x8e: {  	[smem:$0x3FC2] =	sst s2  }
0x8f: {  	_ = 	snop  }
0x90: {  	s2 =	sld [smem:$0x3FD0];
	(tm) =	ssettm $0x1  }
0x91: {  	s18 =	sld [smem:$0x3FFB];
	_ =	sdelay $0x3  }
0x92: {  	_ =	strace s18  }
0x93: {  	s3 =	sld [smem:$0x3FFC];
	_ =	sdelay $0x3  }
0x94: {  	_ =	strace s3  }
0x95: {  	s3 =	sld [smem:$0x3FFD];
	_ =	sdelay $0x3  }
0x96: {  	_ =	strace s3  }
0x97: {  	_ =	strace $0x8FFFFFFF  }
0x98: {  	s19 =	sld [smem:$0x3FDB];
	_ =	sdelay $0x1  }
0x99: {  	s4 =	simm.s32 $_scs_section_size  }
0x9a: {  	s5 =	simm.s32 $_size__tile_overlayer_lowered;
	s6 =	simm.s32 $_tile_overlayer_lowered  }
0x9b: {  	s22 =	simm.s32 $0x1BFF;
	s21 =	sshll.u32 s6, $0x1;
	s3 =	sadd.s32 s4, s19  }
0x9c: {  	s7 =	simm.s32 $0x0;
	s20 =	sshll.u32 s5, $0x1;
	s5 =	sadd.s32 s21, s3  }
0x9d: {  	[timem:s7], [sflag:s22] =	dma.local [hbm:s5], s20  }
0x9e: {  	_ =	swait.ge [sflag:s22], s20  }
0x9f: {  	s4 =	ssub.s32 $0x0, s20;
	[sflag:s22] =	ssyncset.done $0x0  }
0xa0: {  	[sflag:s22] =	ssyncadd.s32 s4;
	_ =	sdelay $0x1  }
0xa1: {  	s23 =	simm.s32 $0x1B8B  }
0xa2: {  	_ =	swait.ge [sflag:s23], $0x1  }
0xa3: {  	[sflag:s23] =	ssyncset.done $0x0  }
0xa4: {  	s25 =	simm.s32 $0x1B8E;
	s24 =	sld [smem:$0x3FFE];
	[sflag:s23] =	ssyncadd.s32 $0xFFFFFFFF  }
0xa5: {  	s26 =	simm.s32 $execute0_lowered;
	[smem:$0x3FD2] =	sst s25  }
0xa6: {  	s5 =	sshll.u32 s26, $0x1;
	_ =	strace $0x80000046;
	[dreg:$0x1] =	wrdreg $0xFFFFFFFF  }
0xa7: {  	s28 =	simm.s32 $_size_execute0_lowered;
	s3 =	sadd.s32 s3, s5;
	[dreg:$0x0] =	wrdreg $0x0  }
0xa8: {  	s5 =	sshll.u32 s28, $0x1;
	[dreg:$0x2] =	wrdreg s3  }
0xa9: {  	[dreg:$0x3] =	wrdreg s5  }
0xaa: {  	[dreg:$0x4] =	wrdreg $0xC0  }
0xab: {  	_ =	task [dreg:s7], $0x5FFFF  }
0xac: {  	[dreg:$0x1] =	wrdreg $0xFFFFFFFF  }
0xad: {  	[dreg:$0x0] =	wrdreg $0x60  }
0xae: {  	[dreg:$0x2] =	wrdreg s2  }
0xaf: {  	[dreg:$0x3] =	wrdreg s24  }
0xb0: {  	[dreg:$0x4] =	wrdreg $0x30000  }
0xb1: {  	[dreg:$0x5] =	wrdreg $0x9  }
0xb2: {  	_ =	task.clear_ibuf [dreg:s7], $0x6FFFF;
	_ =	strace $0x90000046  }
0xb3: {  	s29 =	simm.s32 $0x9;
	_ =	strace $0x80000048  }
0xb4: {  	_ =	swait.ge [sflag:s29], $0x1  }
0xb5: {  	[sflag:s29] =	ssyncadd.s32 $0xFFFFFFFF  }
0xb6: {  	_ =	strace $0x90000048  }
0xb7: {  	_ =	sfence  }
0xb8: {  	s30 =	sld [smem:$0x0];
	_ =	sdelay $0x2  }
0xb9: {  	s31 =	sshll.u32 s1, $0xD;
	s1 =	sshrl.u32 s1, $0x2  }
0xba: {  	s3 =	sand.u32 $0x4000, s31;
	s1 =	sadd.s32 s1, s30  }
0xbb: {  	s0 =	sor.u32 s3, s0;
	s1 =	sshll.u32 s1, $0x11  }
0xbc: {  	s0 =	sor.u32 s1, s0  }
0xbd: {  	s0 =	sadd.s32 $0x8F2B, s0  }
0xbe: {  	[sflag:s0] =	ssyncadd.remote.s32 $0x1  }
0xbf: {  	_ =	sfence.sel $0xFFFF  }
0xc0: {  	[dreg:$0x0] =	wrdreg $0xFFFFFFFF;
	(pc) =	sbr.abs _section_cstart, $3  }
0xc1: {  	[dreg:$0x1] =	wrdreg $0xFFFFFFFF  }
0xc2: {  	_ =	task.clear_ibuf [dreg:s7], $0x2FFFF;
	_ =	strace $0x9FFFFFFF  }
0xc3: {  	(tm) =	ssettm $0x7FFFFFFF  }
tec
execute0_lowered:
.L_overlay_start_1:
0x0: {  	(tag) =	ssettag $0x1  }
0x1: {  	s7 =	rddreg [dreg:$0x0]  }
0x2: {  	s5 =	rddreg [dreg:$0x1]  }
0x3: {  	s1 =	rddreg [dreg:$0x2];
	s2 =	srdreg.scid  }
0x4: {  	s0 =	rddreg [dreg:$0x3];
	s3 =	simm.s32 $0x0;
	s15 =	simm.s32 $0x10  }
0x5: {  	s16 =	simm.s32 $0x3;
	s6 =	sand.u32 $0x1, s2;
	[smem:$0x7FF] =	sst s3  }
0x6: {  	s17 =	simm.s32 $0x0;
	s2 =	stileid.u32;
	s8 =	smul.u32 $0x140000, s6  }
0x7: {  	s4 =	sshll.u32 s6, $0x4;
	s26 =	sand.u32 $0x1, s2;
	s10 =	smul.u32 $0x14000, s2  }
0x8: {  	_ =	strace $0x80000047;
	s28 =	ssub.s32 $0x2, s6;
	s9 =	sor.u32 s2, s4  }
0x9: {  	s31 =	smul.u32 $0xA000, s2;
	p0 =	seq.s32 s26, $0x1;
	p1 =	seq.s32 s9, $0x0  }
0xa: {  	s6 =	simm.s32 $0x2800;
	s14 =	sshll.u32 s2, $0x6;
	p1 =	por !p1, !p0  }
0xb: {  	s8 =	sadd.s32 s10, s8;
	s10 =	simm.s32 $0x1;
	p1 =	por !p1, !p1  }
0xc: {  	s30 =	sshrl.u32 s28, $0x1;
	s9 =	sshrl.u32 s9, $0x1;
	s10 =	simm.s32 @!p1 $0x0  }
0xd: {  	s4 =	sadd.s32 $0xB800, s5;
	s12 =	ssub.s32 s28, s30;
	s29 =	ssub.s32 s9, s10  }
0xe: {  	s8 =	sshrl.u32 s8, $0x3;
	s10 =	simm.s32 $0x2800;
	s9 =	smul.u32 $0x5000, s29  }
0xf: {  	s11 =	sadd.s32 s8, s5;
	s8 =	sshrl.u32 s31, $0x2;
	s10 =	simm.s32 @!p0 $0x0  }
0x10: {  	s5 =	simm.s32 $0x1;
	s13 =	sadd.s32 s8, s1;
	s9 =	sadd.s32 s10, s9  }
0x11: {  	s8 =	sor.u32 $0x1C02, s14;
	s14 =	sor.u32 $0x1C03, s14;
	s9 =	sshrl.u32 s9, $0x3  }
0x12: {  	s10 =	smax.u32 s12, $0x1;
	s12 =	simm.s32 $0x2;
	s7 =	sadd.s32 s7, s9  }
0x13: {  	v0 =	vimm.f32 $1.000000000e+00;
	s9 =	sadd.s32 $0xBE00, s11;
	s11 =	sshrl.u32 s13, $0x3;
	s13 =	simm.s32 $0x80  }
.LBB2_1:
0x14: {  	[tilespmem:s3], [sflag:$0x1] =	stream.linear.gather [hbm4b:s7+s3], $0x2800, $0x38;
	[tilespmem:$0x5800] =	vst v63  }
0x15: {  	s18 =	simm.s32 $0x40;
	s19 =	simm.s32 $0x0  }
0x16: {  	[spmem:s11], [sflag:s8] =	dma.local [hbm:s4], $0x500  }
.LBB2_2:
0x17: {  	p0 =	sne.s32 s18, $0x1FC0;
	[tilespmem:s19+$0x2800] =	vst v0;
	s19 =	smov.u32 s18;
	s18 =	sadd.s32 $0x40, s18  }
.Ltmp0:
0x18: {  	(pc) =	sbr.rel @p0 .LBB2_2-.Ltmp0, $2  }
0x19: {  	_ =	sdelay $0x2  }
0x1a: {  	s19 =	sshra.s32 s19, $0x2  }
0x1b: {  	[tilespmem:s19+$0x2800] =	vst v0  }
0x1c: {  	_ =	swait.ge [sflag:s5], $0x2800  }
0x1d: {  	[sflag:s5] =	ssyncset.done $0x0  }
0x1e: {  	[sflag:s5] =	ssyncadd.s32 $0xFFFFD800  }
0x1f: {  	_ =	swait.ge [sflag:s12], $0x500  }
0x20: {  	[sflag:s12] =	ssyncset.done $0x0  }
0x21: {  	[sflag:s12] =	ssyncadd.s32 $0xFFFFFB00  }
0x22: {  	s18 =	simm.s32 $0x0;
	[bflag:$0x0] =	sbarrier.arrive $0xFFFF  }
0x23: {  	[spmem:s1] =	stream.indirect.scatter.add.f32 [tilespmem:s6], [sflag:$0x2], $0x10, s18, s13, $0xb8;
	[tilespmem:$0x5800] =	vst v63  }
0x24: {  	s24 =	simm.s32 $0x80  }
0x25: {  	[spmem:s1] =	stream.indirect.scatter.add.f32 [tilespmem:s6], [sflag:$0x2], $0x10, s24, s13, $0xb8;
	[tilespmem:$0x5800] =	vst v63  }
0x26: {  	s25 =	simm.s32 $0x100  }
0x27: {  	[spmem:s1] =	stream.indirect.scatter.add.f32 [tilespmem:s6], [sflag:$0x2], $0x10, s25, s13, $0xb8;
	[tilespmem:$0x5800] =	vst v63  }
0x28: {  	s26 =	simm.s32 $0x180  }
0x29: {  	[spmem:s1] =	stream.indirect.scatter.add.f32 [tilespmem:s6], [sflag:$0x2], $0x10, s26, s13, $0xb8;
	[tilespmem:$0x5800] =	vst v63  }
0x2a: {  	s28 =	simm.s32 $0x200  }
0x2b: {  	[spmem:s1] =	stream.indirect.scatter.add.f32 [tilespmem:s6], [sflag:$0x2], $0x10, s28, s13, $0xb8;
	[tilespmem:$0x5800] =	vst v63  }
0x2c: {  	s29 =	simm.s32 $0x280  }
0x2d: {  	[spmem:s1] =	stream.indirect.scatter.add.f32 [tilespmem:s6], [sflag:$0x2], $0x10, s29, s13, $0xb8;
	[tilespmem:$0x5800] =	vst v63  }
0x2e: {  	s30 =	simm.s32 $0x300  }
0x2f: {  	[spmem:s1] =	stream.indirect.scatter.add.f32 [tilespmem:s6], [sflag:$0x2], $0x10, s30, s13, $0xb8;
	[tilespmem:$0x5800] =	vst v63  }
0x30: {  	s31 =	simm.s32 $0x380  }
0x31: {  	[spmem:s1] =	stream.indirect.scatter.add.f32 [tilespmem:s6], [sflag:$0x2], $0x10, s31, s13, $0xb8;
	[tilespmem:$0x5800] =	vst v63  }
0x32: {  	_ =	swait.ge [sflag:s12], $0x800  }
0x33: {  	[sflag:s12] =	ssyncset.done $0x0  }
0x34: {  	[sflag:s12] =	ssyncadd.s32 $0xFFFFF800  }
0x35: {  	_ =	swait.ge [sflag:s12], $0x800  }
0x36: {  	[sflag:s12] =	ssyncset.done $0x0  }
0x37: {  	[sflag:s12] =	ssyncadd.s32 $0xFFFFF800  }
0x38: {  	_ =	swait.ge [sflag:s12], $0x800  }
0x39: {  	[sflag:s12] =	ssyncset.done $0x0  }
0x3a: {  	[sflag:s12] =	ssyncadd.s32 $0xFFFFF800  }
0x3b: {  	_ =	swait.ge [sflag:s12], $0x800  }
0x3c: {  	[sflag:s12] =	ssyncset.done $0x0  }
0x3d: {  	[sflag:s12] =	ssyncadd.s32 $0xFFFFF800  }
0x3e: {  	_ =	swait.ge [sflag:s12], $0x800  }
0x3f: {  	[sflag:s12] =	ssyncset.done $0x0  }
0x40: {  	[sflag:s12] =	ssyncadd.s32 $0xFFFFF800  }
0x41: {  	_ =	swait.ge [sflag:s12], $0x800  }
0x42: {  	[sflag:s12] =	ssyncset.done $0x0  }
0x43: {  	[sflag:s12] =	ssyncadd.s32 $0xFFFFF800  }
0x44: {  	_ =	swait.ge [sflag:s12], $0x800  }
0x45: {  	[sflag:s12] =	ssyncset.done $0x0  }
0x46: {  	[sflag:s12] =	ssyncadd.s32 $0xFFFFF800  }
0x47: {  	_ =	swait.ge [sflag:s12], $0x800  }
0x48: {  	s20 =	simm.s32 $0x2000;
	s18 =	simm.s32 $0x1000;
	[sflag:s12] =	ssyncset.done $0x0  }
.LBB2_4:
0x49: {  	s21 =	sshra.s32 s18, $0x2  }
0x4a: {  	[sflag:s12] =	ssyncadd.s32 $0xFFFFF800;
	s18 =	smov.u32 s20;
	s19 =	sadd.s32 $0x1000, s20  }
0x4b: {  	[spmem:s1] =	stream.indirect.scatter.add.f32 [tilespmem:s6], [sflag:$0x2], $0x10, s21, s13, $0xb8;
	[tilespmem:$0x5800] =	vst v63  }
0x4c: {  	p0 =	sne.s32 s20, $0x9000;
	s20 =	sadd.s32 $0x80, s21  }
0x4d: {  	[spmem:s1] =	stream.indirect.scatter.add.f32 [tilespmem:s6], [sflag:$0x2], $0x10, s20, s13, $0xb8;
	[tilespmem:$0x5800] =	vst v63  }
0x4e: {  	s20 =	sadd.s32 $0x100, s21  }
0x4f: {  	[spmem:s1] =	stream.indirect.scatter.add.f32 [tilespmem:s6], [sflag:$0x2], $0x10, s20, s13, $0xb8;
	[tilespmem:$0x5800] =	vst v63  }
0x50: {  	s20 =	sadd.s32 $0x180, s21  }
0x51: {  	[spmem:s1] =	stream.indirect.scatter.add.f32 [tilespmem:s6], [sflag:$0x2], $0x10, s20, s13, $0xb8;
	[tilespmem:$0x5800] =	vst v63  }
0x52: {  	s20 =	sadd.s32 $0x200, s21  }
0x53: {  	[spmem:s1] =	stream.indirect.scatter.add.f32 [tilespmem:s6], [sflag:$0x2], $0x10, s20, s13, $0xb8;
	[tilespmem:$0x5800] =	vst v63  }
0x54: {  	s20 =	sadd.s32 $0x280, s21  }
0x55: {  	[spmem:s1] =	stream.indirect.scatter.add.f32 [tilespmem:s6], [sflag:$0x2], $0x10, s20, s13, $0xb8;
	[tilespmem:$0x5800] =	vst v63  }
0x56: {  	s20 =	sadd.s32 $0x300, s21  }
0x57: {  	[spmem:s1] =	stream.indirect.scatter.add.f32 [tilespmem:s6], [sflag:$0x2], $0x10, s20, s13, $0xb8;
	[tilespmem:$0x5800] =	vst v63  }
0x58: {  	s20 =	sadd.s32 $0x380, s21  }
0x59: {  	[spmem:s1] =	stream.indirect.scatter.add.f32 [tilespmem:s6], [sflag:$0x2], $0x10, s20, s13, $0xb8;
	[tilespmem:$0x5800] =	vst v63  }
0x5a: {  	_ =	swait.ge [sflag:s12], $0x800  }
0x5b: {  	[sflag:s12] =	ssyncset.done $0x0  }
0x5c: {  	[sflag:s12] =	ssyncadd.s32 $0xFFFFF800  }
0x5d: {  	_ =	swait.ge [sflag:s12], $0x800  }
0x5e: {  	[sflag:s12] =	ssyncset.done $0x0  }
0x5f: {  	[sflag:s12] =	ssyncadd.s32 $0xFFFFF800  }
0x60: {  	_ =	swait.ge [sflag:s12], $0x800  }
0x61: {  	[sflag:s12] =	ssyncset.done $0x0  }
0x62: {  	[sflag:s12] =	ssyncadd.s32 $0xFFFFF800  }
0x63: {  	_ =	swait.ge [sflag:s12], $0x800  }
0x64: {  	[sflag:s12] =	ssyncset.done $0x0  }
0x65: {  	[sflag:s12] =	ssyncadd.s32 $0xFFFFF800  }
0x66: {  	_ =	swait.ge [sflag:s12], $0x800  }
0x67: {  	[sflag:s12] =	ssyncset.done $0x0  }
0x68: {  	[sflag:s12] =	ssyncadd.s32 $0xFFFFF800  }
0x69: {  	_ =	swait.ge [sflag:s12], $0x800  }
0x6a: {  	[sflag:s12] =	ssyncset.done $0x0  }
0x6b: {  	[sflag:s12] =	ssyncadd.s32 $0xFFFFF800  }
.Ltmp1:
0x6c: {  	_ =	swait.ge [sflag:s12], $0x800;
	(pc) =	sbr.rel @p0 .LBB2_4-.Ltmp1, $4  }
0x6d: {  	[sflag:s12] =	ssyncset.done $0x0  }
0x6e: {  	[sflag:s12] =	ssyncadd.s32 $0xFFFFF800  }
0x6f: {  	_ =	swait.ge [sflag:s12], $0x800  }
0x70: {  	s20 =	smov.u32 s19;
	[sflag:s12] =	ssyncset.done $0x0  }
0x71: {  	s18 =	sshra.s32 s18, $0x2;
	[sflag:s12] =	ssyncadd.s32 $0xFFFFF800  }
0x72: {  	[spmem:s1] =	stream.indirect.scatter.add.f32 [tilespmem:s6], [sflag:$0x2], $0x10, s18, s13, $0xb8;
	[tilespmem:$0x5800] =	vst v63  }
0x73: {  	s19 =	sadd.s32 $0x80, s18  }
0x74: {  	[spmem:s1] =	stream.indirect.scatter.add.f32 [tilespmem:s6], [sflag:$0x2], $0x10, s19, s13, $0xb8;
	[tilespmem:$0x5800] =	vst v63  }
0x75: {  	s26 =	sadd.s32 $0x100, s18  }
0x76: {  	[spmem:s1] =	stream.indirect.scatter.add.f32 [tilespmem:s6], [sflag:$0x2], $0x10, s26, s13, $0xb8;
	[tilespmem:$0x5800] =	vst v63  }
0x77: {  	s28 =	sadd.s32 $0x180, s18  }
0x78: {  	[spmem:s1] =	stream.indirect.scatter.add.f32 [tilespmem:s6], [sflag:$0x2], $0x10, s28, s13, $0xb8;
	[tilespmem:$0x5800] =	vst v63  }
0x79: {  	s29 =	sadd.s32 $0x200, s18  }
0x7a: {  	[spmem:s1] =	stream.indirect.scatter.add.f32 [tilespmem:s6], [sflag:$0x2], $0x10, s29, s13, $0xb8;
	[tilespmem:$0x5800] =	vst v63  }
0x7b: {  	s30 =	sadd.s32 $0x280, s18  }
0x7c: {  	[spmem:s1] =	stream.indirect.scatter.add.f32 [tilespmem:s6], [sflag:$0x2], $0x10, s30, s13, $0xb8;
	[tilespmem:$0x5800] =	vst v63  }
0x7d: {  	s31 =	sadd.s32 $0x300, s18  }
0x7e: {  	[spmem:s1] =	stream.indirect.scatter.add.f32 [tilespmem:s6], [sflag:$0x2], $0x10, s31, s13, $0xb8;
	[tilespmem:$0x5800] =	vst v63  }
0x7f: {  	s18 =	sadd.s32 $0x380, s18  }
0x80: {  	[spmem:s1] =	stream.indirect.scatter.add.f32 [tilespmem:s6], [sflag:$0x2], $0x10, s18, s13, $0xb8;
	[tilespmem:$0x5800] =	vst v63  }
0x81: {  	_ =	swait.ge [sflag:s12], $0x800  }
0x82: {  	[sflag:s12] =	ssyncset.done $0x0  }
0x83: {  	[sflag:s12] =	ssyncadd.s32 $0xFFFFF800  }
0x84: {  	_ =	swait.ge [sflag:s12], $0x800  }
0x85: {  	[sflag:s12] =	ssyncset.done $0x0  }
0x86: {  	[sflag:s12] =	ssyncadd.s32 $0xFFFFF800  }
0x87: {  	_ =	swait.ge [sflag:s12], $0x800  }
0x88: {  	[sflag:s12] =	ssyncset.done $0x0  }
0x89: {  	[sflag:s12] =	ssyncadd.s32 $0xFFFFF800  }
0x8a: {  	_ =	swait.ge [sflag:s12], $0x800  }
0x8b: {  	[sflag:s12] =	ssyncset.done $0x0  }
0x8c: {  	[sflag:s12] =	ssyncadd.s32 $0xFFFFF800  }
0x8d: {  	_ =	swait.ge [sflag:s12], $0x800  }
0x8e: {  	[sflag:s12] =	ssyncset.done $0x0  }
0x8f: {  	[sflag:s12] =	ssyncadd.s32 $0xFFFFF800  }
0x90: {  	_ =	swait.ge [sflag:s12], $0x800  }
0x91: {  	[sflag:s12] =	ssyncset.done $0x0  }
0x92: {  	[sflag:s12] =	ssyncadd.s32 $0xFFFFF800  }
0x93: {  	_ =	swait.ge [sflag:s12], $0x800  }
0x94: {  	[sflag:s12] =	ssyncset.done $0x0  }
0x95: {  	[sflag:s12] =	ssyncadd.s32 $0xFFFFF800  }
0x96: {  	_ =	swait.ge [sflag:s12], $0x800  }
0x97: {  	s17 =	sadd.s32 $0x1, s17;
	[sflag:s12] =	ssyncset.done $0x0  }
0x98: {  	p0 =	sne.s32 s17, s10;
	[sflag:s12] =	ssyncadd.s32 $0xFFFFF800  }
.Ltmp2:
0x99: {  	[bflag:$0x0] =	sbarrier.arrive $0xFFFF;
	(pc) =	sbr.rel @p0 .LBB2_1-.Ltmp2, $4  }
0x9a: {  	[hbm:s9@s15], [sflag:s14] =	dma.strided [spmem:s11@s12], $0x500, s5, $0x2   }
0x9b: {  	_ =	swait.ge [sflag:s16], $0x500  }
0x9c: {  	[sflag:s16] =	ssyncset.done $0x0  }
0x9d: {  	[sflag:s16] =	ssyncadd.s32 $0xFFFFFB00  }
0x9e: {  	_ =	sfence.sel $0x180000  }
0x9f: {  	[bflag:$0x0] =	sbarrier.arrive $0xFFFF  }
0xa0: {  	p0 =	sne.s32 s2, $0x0;
	_ =	strace $0x90000047  }
0xa1: {  	s0 =	sadd.s32 @!p0 $0x100000, s0;
	[bflag:$0x2] =	sbarrier.arrive $0xFFFF  }
0xa2: {  	[sflag:s0] =	ssyncadd.tile.s32 @!p0 $0x1;
	_ =	shalt  }
.Lfunc_end2:
_tile_overlayer_lowered:
.L_overlay_start_2:
0xa3: {  	(tag) =	ssettag $0x2  }
0xa4: {  	s0 =	rddreg [dreg:$0x0];
	s2 =	stileid.u32  }
0xa5: {  	s1 =	rddreg [dreg:$0x1];
	p0 =	sne.s32 s2, $0x0  }
0xa6: {  	s3 =	rddreg [dreg:$0x2];
	[bflag:$0x3] =	sbarrier.arrive $0xFFFF;
	s2 =	simm.s32 @!p0 $0x1C03  }
0xa7: {  	[timem:s3], [sflag:s2] =	dma.local @!p0 [hbm:s0], s1  }
0xa8: {  	s0 =	simm.s32 @!p0 $0x3  }
0xa9: {  	_ =	swait.ge @!p0 [sflag:s0], s1  }
0xaa: {  	s1 =	ssub.s32 @!p0 $0x0, s1;
	[sflag:s0] =	ssyncset.done @!p0 $0x0  }
0xab: {  	[sflag:s0] =	ssyncadd.s32 @!p0 s1  }
0xac: {  	[bflag:$0x3] =	sbarrier.arrive $0xFFFF  }
0xad: {  	_ =	shalt  }

</sc_bundles>
